<compile_context>
chip_gen: v7x
topology: tpu7x:2x2x1
jax: 0.10.2.dev20260603
libtpu: 0.0.44.dev20260713+nightly
codegen_flags: <defaults>
</compile_context>

<pallas_src>
import functools

import jax
import jax.numpy as jnp
from jax import lax
from jax.experimental import pallas as pl
from jax.experimental.pallas import tpu as pltpu
from jax.experimental.pallas import tpu_sc as plsc

_D = 128
_NSEG = 10000
_NORM = float(_D) ** 0.5
_N = 320000
_NC = 2
_NS = 16
_NW = _NC * _NS
_CHUNK = _N // _NW
_VL = 16
_WSEG = 256
_SUBR = 100
_PIECE = 1000

_mesh = functools.partial(
    plsc.VectorSubcoreMesh,
    core_axis_name="c",
    subcore_axis_name="s",
    num_cores=_NC,
    num_subcores=_NS,
)

_SC_PARAMS = pltpu.CompilerParams(needs_layout_passes=False)


def _e_kernel(x_ref, mask_ref, wt_ref, ctx_ref, b_ref, mv_ref, e_ref):
    x = x_ref[...]
    h = jnp.tanh(
        jnp.dot(x, wt_ref[...], preferred_element_type=jnp.float32) + b_ref[...]
    )
    imp = jnp.dot(h, ctx_ref[...], preferred_element_type=jnp.float32) * (1.0 / _NORM)
    imp = jnp.where(mask_ref[...] == 0, mv_ref[...], imp)
    e_ref[...] = jnp.exp(imp)


def _wid():
    return lax.axis_index("s") * _NC + lax.axis_index("c")


def _sc_denom_partials(e_hbm, idx_hbm, out_hbm, e_v, idx_v, acc_v):
    wid = _wid()
    base = wid * _CHUNK
    pltpu.sync_copy(e_hbm.at[pl.ds(base, _CHUNK)], e_v)
    pltpu.sync_copy(idx_hbm.at[pl.ds(base, _CHUNK)], idx_v)

    def zero_body(i, carry):
        acc_v[pl.ds(i * _VL, _VL)] = jnp.zeros((_VL,), jnp.float32)
        return carry

    lax.fori_loop(0, (_NSEG + _VL) // _VL, zero_body, 0)

    def body(i, carry):
        s = pl.ds(i * _VL, _VL)
        plsc.addupdate_scatter(acc_v, [idx_v[s]], e_v[s])
        return carry

    lax.fori_loop(0, _CHUNK // _VL, body, 0)
    pltpu.sync_copy(acc_v.at[pl.ds(0, _NSEG)], out_hbm.at[pl.ds(wid * _NSEG, _NSEG)])


def _sc_aw(part_hbm, e_hbm, idx_hbm, aw_hbm, den_hbm, den_v, buf_v, e_v, idx_v, aw_v):
    wid = _wid()
    base = wid * _CHUNK
    pltpu.sync_copy(part_hbm.at[pl.ds(0, _NSEG)], den_v)

    def outer(j, carry):
        pltpu.sync_copy(part_hbm.at[pl.ds(j * _NSEG, _NSEG)], buf_v)

        def inner(i, c2):
            s = pl.ds(i * _VL, _VL)
            den_v[s] = den_v[s] + buf_v[s]
            return c2

        return lax.fori_loop(0, _NSEG // _VL, inner, carry)

    lax.fori_loop(1, _NW, outer, 0)

    pltpu.sync_copy(e_hbm.at[pl.ds(base, _CHUNK)], e_v)
    pltpu.sync_copy(idx_hbm.at[pl.ds(base, _CHUNK)], idx_v)

    def body(i, carry):
        s = pl.ds(i * _VL, _VL)
        d = plsc.load_gather(den_v, [idx_v[s]])
        aw_v[s] = e_v[s] / d
        return carry

    lax.fori_loop(0, _CHUNK // _VL, body, 0)
    pltpu.sync_copy(aw_v, aw_hbm.at[pl.ds(base, _CHUNK)])

    @pl.when(wid == 0)
    def _():
        pltpu.sync_copy(den_v, den_hbm)


def _sc_wsum(
    x_hbm, e_hbm, idx_hbm, out_hbm,
    x_buf, e_v, idx_v, acc, f0, f1, shared,
):
    wid = _wid()
    cid = lax.axis_index("c")
    sub = lax.axis_index("s")
    base = wid * _CHUNK
    col0 = lax.iota(jnp.int32, _VL)
    zvec = jnp.zeros((_VL,), jnp.float32)
    fidx = (f0, f1)

    def zero_acc():
        def zb(j, c):
            rvec = jnp.full((_VL,), j, jnp.int32)
            for k in range(8):
                plsc.store_scatter(acc, [rvec, col0 + k * _VL], zvec)
            return c

        lax.fori_loop(0, _WSEG, zb, 0)

    def flush(first):
        fvec = jnp.full((_VL,), first, jnp.int32)
        for q in range(2):
            for j in range(8):
                v = fvec + (q * 128 + j * _VL) + col0
                v = jnp.where(v < _NSEG, v, _NSEG)
                fidx[q][pl.ds(j * _VL, _VL)] = v
            pltpu.sync_copy(acc.at[pl.ds(q * 128, 128)], shared.at[fidx[q]], add=True)
        zero_acc()

    zero_acc()

    @pl.when(sub < 15)
    def _():
        pltpu.sync_copy(acc.at[pl.ds(0, 512)], shared.at[pl.ds(sub * 632, 512)])
        pltpu.sync_copy(acc.at[pl.ds(0, 120)], shared.at[pl.ds(sub * 632 + 512, 120)])

    @pl.when(sub == 15)
    def _():
        pltpu.sync_copy(acc.at[pl.ds(0, 512)], shared.at[pl.ds(9480, 512)])
        pltpu.sync_copy(acc.at[pl.ds(0, 9)], shared.at[pl.ds(9992, 9)])

    plsc.subcore_barrier()

    def store_regs(fst, cur, regs):
        lofo = jnp.full((_VL,), cur - fst, jnp.int32)
        for k in range(8):
            plsc.addupdate_scatter(acc, [lofo, col0 + k * _VL], regs[k])

    def piece_body(p, carry):
        pltpu.sync_copy(idx_hbm.at[pl.ds(base + p * _PIECE, _PIECE)], idx_v)
        pltpu.sync_copy(e_hbm.at[pl.ds(base + p * _PIECE, _PIECE)], e_v)

        def sub_body(q, carry):
            row0 = p * _PIECE + q * _SUBR
            pltpu.sync_copy(
                x_hbm.at[pl.ds((base + row0) * _D, _SUBR * _D)], x_buf
            )

            def row_body(r, carry):
                fst, cur = carry[0], carry[1]
                regs = carry[2:]
                rs = jnp.full((_VL,), q * _SUBR + r, jnp.int32)
                seg = plsc.load_gather(idx_v, [rs])
                segs = jnp.max(seg)
                ew = plsc.load_gather(e_v, [rs])
                change = segs != cur
                pl.when(change)(lambda: store_regs(fst, cur, regs))
                need = jnp.logical_and(change, (segs - fst) >= _WSEG)
                pl.when(need)(lambda: flush(fst))
                fst = jnp.where(need, segs, fst)
                wx = [
                    x_buf[pl.ds(r * _D + k * _VL, _VL)] * ew for k in range(8)
                ]
                regs = tuple(
                    jnp.where(change, wx[k], regs[k] + wx[k]) for k in range(8)
                )
                return (fst, segs) + regs

            return lax.fori_loop(0, _SUBR, row_body, carry)

        return lax.fori_loop(0, _PIECE // _SUBR, sub_body, carry)

    zregs = tuple(jnp.zeros((_VL,), jnp.float32) for _ in range(8))
    carry0 = (jnp.int32(0), jnp.int32(0)) + zregs
    carry_end = lax.fori_loop(0, _CHUNK // _PIECE, piece_body, carry0)
    store_regs(carry_end[0], carry_end[1], carry_end[2:])
    flush(carry_end[0])
    plsc.subcore_barrier()

    @pl.when(sub < 15)
    def _():
        pltpu.sync_copy(
            shared.at[pl.ds(sub * 632, 632)],
            out_hbm.at[pl.ds(cid * _NSEG + sub * 632, 632)],
        )

    @pl.when(sub == 15)
    def _():
        pltpu.sync_copy(
            shared.at[pl.ds(9480, 520)],
            out_hbm.at[pl.ds(cid * _NSEG + 9480, 520)],
        )


def _tc3_kernel(p_ref, d_ref, o_ref):
    s = p_ref[0] + p_ref[1]
    o_ref[...] = s / jnp.maximum(d_ref[...], 1e-30)


@jax.jit
def kernel(input, mask, index, context, W, b):
    n = input.shape[0]
    blk = 2560
    grid = n // blk

    L = jnp.sum(jnp.abs(context)) / _NORM
    maskval = (-(L + 40.0)).reshape(1, 1)

    e = pl.pallas_call(
        _e_kernel,
        grid=(grid,),
        in_specs=[
            pl.BlockSpec((blk, _D), lambda i: (i, 0)),
            pl.BlockSpec((blk, 1), lambda i: (i, 0)),
            pl.BlockSpec((_D, _D), lambda i: (0, 0)),
            pl.BlockSpec((_D, 1), lambda i: (0, 0)),
            pl.BlockSpec((1, _D), lambda i: (0, 0)),
            pl.BlockSpec((1, 1), lambda i: (0, 0)),
        ],
        out_specs=pl.BlockSpec((blk, 1), lambda i: (i, 0)),
        out_shape=jax.ShapeDtypeStruct((n, 1), jnp.float32),
    )(
        input,
        mask.reshape(n, 1),
        W.T,
        context.reshape(_D, 1),
        b.reshape(1, _D),
        maskval,
    )
    e = e.reshape(n)

    partials = pl.kernel(
        _sc_denom_partials,
        out_type=jax.ShapeDtypeStruct((_NW * _NSEG,), jnp.float32),
        mesh=_mesh(),
        compiler_params=_SC_PARAMS,
        scratch_types=[
            pltpu.VMEM((_CHUNK,), jnp.float32),
            pltpu.VMEM((_CHUNK,), jnp.int32),
            pltpu.VMEM((_NSEG + _VL,), jnp.float32),
        ],
    )(e, index)

    aw, den = pl.kernel(
        _sc_aw,
        out_type=(
            jax.ShapeDtypeStruct((n,), jnp.float32),
            jax.ShapeDtypeStruct((_NSEG,), jnp.float32),
        ),
        mesh=_mesh(),
        compiler_params=_SC_PARAMS,
        scratch_types=[
            pltpu.VMEM((_NSEG,), jnp.float32),
            pltpu.VMEM((_NSEG,), jnp.float32),
            pltpu.VMEM((_CHUNK,), jnp.float32),
            pltpu.VMEM((_CHUNK,), jnp.int32),
            pltpu.VMEM((_CHUNK,), jnp.float32),
        ],
    )(partials, e, index)

    pooled = pl.kernel(
        _sc_wsum,
        out_type=jax.ShapeDtypeStruct((_NC * _NSEG, _D), jnp.float32),
        mesh=_mesh(),
        compiler_params=_SC_PARAMS,
        scratch_types=[
            pltpu.VMEM((_SUBR * _D,), jnp.float32),
            pltpu.VMEM((_PIECE,), jnp.float32),
            pltpu.VMEM((_PIECE,), jnp.int32),
            pltpu.VMEM((_WSEG, _D), jnp.float32),
            pltpu.VMEM((128,), jnp.int32),
            pltpu.VMEM((128,), jnp.int32),
            pltpu.VMEM_SHARED((_NSEG + 1, _D), jnp.float32),
        ],
    )(input.reshape(n * _D), e, index)

    out = pl.pallas_call(
        _tc3_kernel,
        grid=(5,),
        in_specs=[
            pl.BlockSpec((2, 2000, _D), lambda i: (0, i, 0)),
            pl.BlockSpec((2000, 1), lambda i: (i, 0)),
        ],
        out_specs=pl.BlockSpec((2000, _D), lambda i: (i, 0)),
        out_shape=jax.ShapeDtypeStruct((_NSEG, _D), jnp.float32),
    )(pooled.reshape(_NC, _NSEG, _D), den.reshape(_NSEG, 1))

    return (out, aw)

# --- scband reference (transcript-rebuilt; emitter-appended) ---
"""Pipeline reference for scband-scatter-attention-19920058319221 (READ-ONLY COPY).

The authoritative reference and input builder live on the scoring server;
editing this copy changes nothing except your own understanding.
"""

import jax, jax.numpy as jnp
import numpy as np

EMBED_DIM = 128
INDEX_DIM = 10000
N = 320000
NORM = float(np.sqrt(EMBED_DIM))


def setup_inputs(seed: int = 0) -> dict:
    key = jax.random.key(seed)
    k1, k2, k3, k4, k5 = jax.random.split(key, 5)
    inp = jax.random.normal(k1, (N, EMBED_DIM), dtype=jnp.float32)
    mask = jax.random.randint(k2, (N,), 0, 2, dtype=jnp.int32)
    index = jnp.sort(jax.random.randint(k3, (N,), 0, INDEX_DIM, dtype=jnp.int32))
    # learned parameters
    context = jax.random.normal(k4, (EMBED_DIM,), dtype=jnp.float32)
    W = jax.random.normal(k5, (EMBED_DIM, EMBED_DIM), dtype=jnp.float32) / np.sqrt(EMBED_DIM)
    b = jnp.zeros((EMBED_DIM,), dtype=jnp.float32)
    return {"input": inp, "mask": mask, "index": index, "context": context, "W": W, "b": b}


def _scatter_softmax(importance, index, num_segments):
    seg_max = jax.ops.segment_max(importance, index, num_segments=num_segments)
    seg_max = jnp.where(jnp.isfinite(seg_max), seg_max, 0.0)  # empty segments
    ex = jnp.exp(importance - seg_max[index])
    denom = jax.ops.segment_sum(ex, index, num_segments=num_segments)
    return ex / denom[index]


def reference(input, mask, index, context, W, b):
    hidden = jnp.tanh(input @ W.T + b)
    importance = jnp.sum(hidden * context, axis=-1) / NORM
    importance = jnp.where(mask == 0, -1e9, importance)
    attention_weights = _scatter_softmax(importance, index, INDEX_DIM)
    weighted_projection = input * attention_weights[:, None]
    output = jax.ops.segment_sum(weighted_projection, index, num_segments=INDEX_DIM)
    return (output, attention_weights)

if __name__ == "__main__":
    import jax
    _d = setup_inputs()
    print(jax.jit(kernel)(*tuple(_d.values())))

</pallas_src>

<mosaic_0001>
#map = affine_map<(d0, d1) -> (0)>
module attributes {stable_mosaic.version = 14 : i64} {
  func.func @_sc_aw(%arg0: i32, %arg1: i32, %arg2: memref<320000xf32, #tpu.memory_space<hbm>>, %arg3: memref<320000xf32, #tpu.memory_space<hbm>>, %arg4: memref<320000xi32, #tpu.memory_space<hbm>>, %arg5: memref<320000xf32, #tpu.memory_space<hbm>>, %arg6: memref<10000xf32, #tpu.memory_space<hbm>>, %arg7: memref<10000xf32, #tpu.memory_space<vmem>>, %arg8: memref<10000xf32, #tpu.memory_space<vmem>>, %arg9: memref<10000xf32, #tpu.memory_space<vmem>>, %arg10: memref<10000xi32, #tpu.memory_space<vmem>>, %arg11: memref<10000xf32, #tpu.memory_space<vmem>>) attributes {dimension_semantics = [#tpu.dimension_semantics<core_parallel>, #tpu.dimension_semantics<subcore_parallel>], iteration_bounds = array<i64: 2, 16>, scalar_prefetch = 0 : i64, scratch_operands = 5 : i64, tpu.core_type = #tpu.core_type<sc_vector_subcore>, window_params = [{transform_indices = #map}, {transform_indices = #map}, {transform_indices = #map}, {transform_indices = #map}, {transform_indices = #map}]} {
    %mul3A = arith.constant 2 : i32
    %mul3A_0 = arith.muli %arg1, %mul3A : i32
    %add3A = arith.addi %mul3A_0, %arg0 : i32
    %mul3A_1 = arith.constant 10000 : i32
    %mul3A_2 = arith.muli %add3A, %mul3A_1 : i32
    "tpu.region"() ({
      %run_scoped3A = tpu.sem_alloc : memref<!tpu.dma_semaphore, #tpu.memory_space<semaphore_mem>>
      %dma_start3A = arith.constant 0 : i32
      %dma_start3A_16 = tpu.memref_slice %arg2[%dma_start3A] : memref<320000xf32, #tpu.memory_space<hbm>> -> memref<10000xf32, #tpu.memory_space<hbm>>
      %dma_start3A_17 = arith.constant 0 : i32
      %dma_start3A_18 = tpu.memref_slice %arg2[%dma_start3A_17] : memref<320000xf32, #tpu.memory_space<hbm>> -> memref<10000xf32, #tpu.memory_space<hbm>>
      tpu.enqueue_dma source(%dma_start3A_18 : memref<10000xf32, #tpu.memory_space<hbm>>) target(%arg7 : memref<10000xf32, #tpu.memory_space<vmem>>) target_semaphore(%run_scoped3A : memref<!tpu.dma_semaphore, #tpu.memory_space<semaphore_mem>>)
      %dma_wait3A = arith.constant 0 : i32
      %dma_wait3A_19 = tpu.memref_slice %arg2[%dma_wait3A] : memref<320000xf32, #tpu.memory_space<hbm>> -> memref<10000xf32, #tpu.memory_space<hbm>>
      %dma_wait3A_20 = arith.constant 0 : i32
      %dma_wait3A_21 = tpu.memref_slice %arg2[%dma_wait3A_20] : memref<320000xf32, #tpu.memory_space<hbm>> -> memref<10000xf32, #tpu.memory_space<hbm>>
      tpu.wait_dma2 semaphore(%run_scoped3A : memref<!tpu.dma_semaphore, #tpu.memory_space<semaphore_mem>>) src(%dma_wait3A_21 : memref<10000xf32, #tpu.memory_space<hbm>>) dst(%arg7 : memref<10000xf32, #tpu.memory_space<vmem>>)
      tpu.yield
    }) : () -> ()
    %scan3A = arith.constant 0 : i32
    %scan3A_3 = arith.constant 1 : i32
    %scan3A_4 = arith.constant 31 : i32
    %scan3A_5 = arith.addi %scan3A_3, %scan3A_4 : i32
    %scan3A_6 = arith.constant 1 : i32
    scf.for %scan3A_16 = %scan3A_3 to %scan3A_5 step %scan3A_6  : i32 {
      %mul3A_17 = arith.constant 10000 : i32
      %mul3A_18 = arith.muli %scan3A_16, %mul3A_17 : i32
      "tpu.region"() ({
        %run_scoped3A = tpu.sem_alloc : memref<!tpu.dma_semaphore, #tpu.memory_space<semaphore_mem>>
        %dma_start3A = tpu.memref_slice %arg2[%mul3A_18] : memref<320000xf32, #tpu.memory_space<hbm>> -> memref<10000xf32, #tpu.memory_space<hbm>>
        %dma_start3A_24 = tpu.memref_slice %arg2[%mul3A_18] : memref<320000xf32, #tpu.memory_space<hbm>> -> memref<10000xf32, #tpu.memory_space<hbm>>
        tpu.enqueue_dma source(%dma_start3A_24 : memref<10000xf32, #tpu.memory_space<hbm>>) target(%arg8 : memref<10000xf32, #tpu.memory_space<vmem>>) target_semaphore(%run_scoped3A : memref<!tpu.dma_semaphore, #tpu.memory_space<semaphore_mem>>)
        %dma_wait3A = tpu.memref_slice %arg2[%mul3A_18] : memref<320000xf32, #tpu.memory_space<hbm>> -> memref<10000xf32, #tpu.memory_space<hbm>>
        %dma_wait3A_25 = tpu.memref_slice %arg2[%mul3A_18] : memref<320000xf32, #tpu.memory_space<hbm>> -> memref<10000xf32, #tpu.memory_space<hbm>>
        tpu.wait_dma2 semaphore(%run_scoped3A : memref<!tpu.dma_semaphore, #tpu.memory_space<semaphore_mem>>) src(%dma_wait3A_25 : memref<10000xf32, #tpu.memory_space<hbm>>) dst(%arg8 : memref<10000xf32, #tpu.memory_space<vmem>>)
        tpu.yield
      }) : () -> ()
      %scan3A_19 = arith.constant 0 : i32
      %scan3A_20 = arith.constant 625 : i32
      %scan3A_21 = arith.addi %scan3A_19, %scan3A_20 : i32
      %scan3A_22 = arith.constant 1 : i32
      scf.for %scan3A_24 = %scan3A_19 to %scan3A_21 step %scan3A_22  : i32 {
        %mul3A_25 = arith.constant 16 : i32
        %mul3A_26 = arith.muli %scan3A_24, %mul3A_25 : i32
        %get3A = arith.index_cast %mul3A_26 : i32 to index
        %get3A_27 = tpu.vector_load %arg7[%get3A] {strides = array<i32>} : memref<10000xf32, #tpu.memory_space<vmem>>, vector<16xf32>,
        %get3A_28 = arith.index_cast %mul3A_26 : i32 to index
        %get3A_29 = tpu.vector_load %arg8[%get3A_28] {strides = array<i32>} : memref<10000xf32, #tpu.memory_space<vmem>>, vector<16xf32>,
        %add3A_30 = arith.addf %get3A_27, %get3A_29 : vector<16xf32>
        %swap3A = arith.index_cast %mul3A_26 : i32 to index
        %swap3A_31 = tpu.vector_load %arg7[%swap3A] {strides = array<i32>} : memref<10000xf32, #tpu.memory_space<vmem>>, vector<16xf32>,
        tpu.vector_store %arg7[%swap3A], %add3A_30 {strides = array<i32>} : memref<10000xf32, #tpu.memory_space<vmem>>, vector<16xf32>,
      }
      %scan3A_23 = arith.constant 625 : i32
    }
    %scan3A_7 = arith.constant 31 : i32
    "tpu.region"() ({
      %run_scoped3A = tpu.sem_alloc : memref<!tpu.dma_semaphore, #tpu.memory_space<semaphore_mem>>
      %dma_start3A = tpu.memref_slice %arg3[%mul3A_2] : memref<320000xf32, #tpu.memory_space<hbm>> -> memref<10000xf32, #tpu.memory_space<hbm>>
      %dma_start3A_16 = tpu.memref_slice %arg3[%mul3A_2] : memref<320000xf32, #tpu.memory_space<hbm>> -> memref<10000xf32, #tpu.memory_space<hbm>>
      tpu.enqueue_dma source(%dma_start3A_16 : memref<10000xf32, #tpu.memory_space<hbm>>) target(%arg9 : memref<10000xf32, #tpu.memory_space<vmem>>) target_semaphore(%run_scoped3A : memref<!tpu.dma_semaphore, #tpu.memory_space<semaphore_mem>>)
      %dma_wait3A = tpu.memref_slice %arg3[%mul3A_2] : memref<320000xf32, #tpu.memory_space<hbm>> -> memref<10000xf32, #tpu.memory_space<hbm>>
      %dma_wait3A_17 = tpu.memref_slice %arg3[%mul3A_2] : memref<320000xf32, #tpu.memory_space<hbm>> -> memref<10000xf32, #tpu.memory_space<hbm>>
      tpu.wait_dma2 semaphore(%run_scoped3A : memref<!tpu.dma_semaphore, #tpu.memory_space<semaphore_mem>>) src(%dma_wait3A_17 : memref<10000xf32, #tpu.memory_space<hbm>>) dst(%arg9 : memref<10000xf32, #tpu.memory_space<vmem>>)
      tpu.yield
    }) : () -> ()
    "tpu.region"() ({
      %run_scoped3A = tpu.sem_alloc : memref<!tpu.dma_semaphore, #tpu.memory_space<semaphore_mem>>
      %dma_start3A = tpu.memref_slice %arg4[%mul3A_2] : memref<320000xi32, #tpu.memory_space<hbm>> -> memref<10000xi32, #tpu.memory_space<hbm>>
      %dma_start3A_16 = tpu.memref_slice %arg4[%mul3A_2] : memref<320000xi32, #tpu.memory_space<hbm>> -> memref<10000xi32, #tpu.memory_space<hbm>>
      tpu.enqueue_dma source(%dma_start3A_16 : memref<10000xi32, #tpu.memory_space<hbm>>) target(%arg10 : memref<10000xi32, #tpu.memory_space<vmem>>) target_semaphore(%run_scoped3A : memref<!tpu.dma_semaphore, #tpu.memory_space<semaphore_mem>>)
      %dma_wait3A = tpu.memref_slice %arg4[%mul3A_2] : memref<320000xi32, #tpu.memory_space<hbm>> -> memref<10000xi32, #tpu.memory_space<hbm>>
      %dma_wait3A_17 = tpu.memref_slice %arg4[%mul3A_2] : memref<320000xi32, #tpu.memory_space<hbm>> -> memref<10000xi32, #tpu.memory_space<hbm>>
      tpu.wait_dma2 semaphore(%run_scoped3A : memref<!tpu.dma_semaphore, #tpu.memory_space<semaphore_mem>>) src(%dma_wait3A_17 : memref<10000xi32, #tpu.memory_space<hbm>>) dst(%arg10 : memref<10000xi32, #tpu.memory_space<vmem>>)
      tpu.yield
    }) : () -> ()
    %scan3A_8 = arith.constant 0 : i32
    %scan3A_9 = arith.constant 0 : i32
    %scan3A_10 = arith.constant 625 : i32
    %scan3A_11 = arith.addi %scan3A_9, %scan3A_10 : i32
    %scan3A_12 = arith.constant 1 : i32
    scf.for %scan3A_16 = %scan3A_9 to %scan3A_11 step %scan3A_12  : i32 {
      %mul3A_17 = arith.constant 16 : i32
      %mul3A_18 = arith.muli %scan3A_16, %mul3A_17 : i32
      %get3A = arith.index_cast %mul3A_18 : i32 to index
      %get3A_19 = tpu.vector_load %arg10[%get3A] {strides = array<i32>} : memref<10000xi32, #tpu.memory_space<vmem>>, vector<16xi32>,
      %gather3A = tpu.vector_load_idx %arg7[%get3A_19] : memref<10000xf32, #tpu.memory_space<vmem>>[vector<16xi32>], vector<16xf32>,
      %get3A_20 = arith.index_cast %mul3A_18 : i32 to index
      %get3A_21 = tpu.vector_load %arg9[%get3A_20] {strides = array<i32>} : memref<10000xf32, #tpu.memory_space<vmem>>, vector<16xf32>,
      %div3A = arith.divf %get3A_21, %gather3A : vector<16xf32>
      %swap3A = arith.index_cast %mul3A_18 : i32 to index
      %swap3A_22 = tpu.vector_load %arg11[%swap3A] {strides = array<i32>} : memref<10000xf32, #tpu.memory_space<vmem>>, vector<16xf32>,
      tpu.vector_store %arg11[%swap3A], %div3A {strides = array<i32>} : memref<10000xf32, #tpu.memory_space<vmem>>, vector<16xf32>,
    }
    %scan3A_13 = arith.constant 625 : i32
    "tpu.region"() ({
      %run_scoped3A = tpu.sem_alloc : memref<!tpu.dma_semaphore, #tpu.memory_space<semaphore_mem>>
      %dma_start3A = tpu.memref_slice %arg5[%mul3A_2] : memref<320000xf32, #tpu.memory_space<hbm>> -> memref<10000xf32, #tpu.memory_space<hbm>>
      %dma_start3A_16 = tpu.memref_slice %arg5[%mul3A_2] : memref<320000xf32, #tpu.memory_space<hbm>> -> memref<10000xf32, #tpu.memory_space<hbm>>
      tpu.enqueue_dma source(%arg11 : memref<10000xf32, #tpu.memory_space<vmem>>) target(%dma_start3A_16 : memref<10000xf32, #tpu.memory_space<hbm>>) target_semaphore(%run_scoped3A : memref<!tpu.dma_semaphore, #tpu.memory_space<semaphore_mem>>)
      %dma_wait3A = tpu.memref_slice %arg5[%mul3A_2] : memref<320000xf32, #tpu.memory_space<hbm>> -> memref<10000xf32, #tpu.memory_space<hbm>>
      %dma_wait3A_17 = tpu.memref_slice %arg5[%mul3A_2] : memref<320000xf32, #tpu.memory_space<hbm>> -> memref<10000xf32, #tpu.memory_space<hbm>>
      tpu.wait_dma2 semaphore(%run_scoped3A : memref<!tpu.dma_semaphore, #tpu.memory_space<semaphore_mem>>) src(%arg11 : memref<10000xf32, #tpu.memory_space<vmem>>) dst(%dma_wait3A_17 : memref<10000xf32, #tpu.memory_space<hbm>>)
      tpu.yield
    }) : () -> ()
    %eq3A = arith.constant 0 : i32
    %eq3A_14 = arith.cmpi eq, %add3A, %eq3A : i32
    %convert_element_type3A = arith.extui %eq3A_14 : i1 to i32
    %cond3A = arith.constant 0 : i32
    %cond3A_15 = arith.cmpi ne, %convert_element_type3A, %cond3A : i32
    scf.if %cond3A_15 {
      "tpu.region"() ({
        %run_scoped3A = tpu.sem_alloc : memref<!tpu.dma_semaphore, #tpu.memory_space<semaphore_mem>>
        tpu.enqueue_dma source(%arg7 : memref<10000xf32, #tpu.memory_space<vmem>>) target(%arg6 : memref<10000xf32, #tpu.memory_space<hbm>>) target_semaphore(%run_scoped3A : memref<!tpu.dma_semaphore, #tpu.memory_space<semaphore_mem>>)
        tpu.wait_dma2 semaphore(%run_scoped3A : memref<!tpu.dma_semaphore, #tpu.memory_space<semaphore_mem>>) src(%arg7 : memref<10000xf32, #tpu.memory_space<vmem>>) dst(%arg6 : memref<10000xf32, #tpu.memory_space<hbm>>)
        tpu.yield
      }) : () -> ()
    } else {
    }
    return
  }
}

#map = affine_map<(d0, d1) -> (0)>
#map1 = affine_map<(d0, d1) -> (0, 0)>
module attributes {stable_mosaic.version = 14 : i64} {
  func.func @_sc_wsum(%arg0: i32, %arg1: i32, %arg2: memref<40960000xf32, #tpu.memory_space<hbm>>, %arg3: memref<320000xf32, #tpu.memory_space<hbm>>, %arg4: memref<320000xi32, #tpu.memory_space<hbm>>, %arg5: memref<20000x128xf32, #tpu.memory_space<hbm>>, %arg6: memref<12800xf32, #tpu.memory_space<vmem>>, %arg7: memref<1000xf32, #tpu.memory_space<vmem>>, %arg8: memref<1000xi32, #tpu.memory_space<vmem>>, %arg9: memref<256x128xf32, #tpu.memory_space<vmem>>, %arg10: memref<128xi32, #tpu.memory_space<vmem>>, %arg11: memref<128xi32, #tpu.memory_space<vmem>>, %arg12: memref<10001x128xf32, #tpu.memory_space<vmem_shared>>) attributes {dimension_semantics = [#tpu.dimension_semantics<core_parallel>, #tpu.dimension_semantics<subcore_parallel>], iteration_bounds = array<i64: 2, 16>, scalar_prefetch = 0 : i64, scratch_operands = 7 : i64, tpu.core_type = #tpu.core_type<sc_vector_subcore>, window_params = [{transform_indices = #map}, {transform_indices = #map}, {transform_indices = #map}, {transform_indices = #map1}]} {
    %mul3A = arith.constant 2 : i32
    %mul3A_0 = arith.muli %arg1, %mul3A : i32
    %add3A = arith.addi %mul3A_0, %arg0 : i32
    %mul3A_1 = arith.constant 10000 : i32
    %mul3A_2 = arith.muli %add3A, %mul3A_1 : i32
    %iota3A = tpu.iota {dimensions = array<i32: 0>} : vector<16xi32>
    %broadcast_in_dim3A = arith.constant 0.000000e+00 : f32
    %broadcast_in_dim3A_3 = vector.broadcast %broadcast_in_dim3A : f32 to vector<16xf32>
    %scan3A = arith.constant 0 : i32
    %scan3A_4 = arith.constant 0 : i32
    %scan3A_5 = arith.constant 256 : i32
    %scan3A_6 = arith.addi %scan3A_4, %scan3A_5 : i32
    %scan3A_7 = arith.constant 1 : i32
    scf.for %scan3A_271 = %scan3A_4 to %scan3A_6 step %scan3A_7  : i32 {
      %broadcast_in_dim3A_272 = vector.broadcast %scan3A_271 : i32 to vector<16xi32>
      %add3A_273 = arith.constant 0 : i32
      %add3A_274 = vector.broadcast %add3A_273 : i32 to vector<16xi32>
      %add3A_275 = arith.addi %iota3A, %add3A_274 : vector<16xi32>
      tpu.vector_store_idx %arg9[%broadcast_in_dim3A_272, %add3A_275], %broadcast_in_dim3A_3 : memref<256x128xf32, #tpu.memory_space<vmem>>[vector<16xi32>, vector<16xi32>], vector<16xf32>,
      %add3A_276 = arith.constant 16 : i32
      %add3A_277 = vector.broadcast %add3A_276 : i32 to vector<16xi32>
      %add3A_278 = arith.addi %iota3A, %add3A_277 : vector<16xi32>
      tpu.vector_store_idx %arg9[%broadcast_in_dim3A_272, %add3A_278], %broadcast_in_dim3A_3 : memref<256x128xf32, #tpu.memory_space<vmem>>[vector<16xi32>, vector<16xi32>], vector<16xf32>,
      %add3A_279 = arith.constant 32 : i32
      %add3A_280 = vector.broadcast %add3A_279 : i32 to vector<16xi32>
      %add3A_281 = arith.addi %iota3A, %add3A_280 : vector<16xi32>
      tpu.vector_store_idx %arg9[%broadcast_in_dim3A_272, %add3A_281], %broadcast_in_dim3A_3 : memref<256x128xf32, #tpu.memory_space<vmem>>[vector<16xi32>, vector<16xi32>], vector<16xf32>,
      %add3A_282 = arith.constant 48 : i32
      %add3A_283 = vector.broadcast %add3A_282 : i32 to vector<16xi32>
      %add3A_284 = arith.addi %iota3A, %add3A_283 : vector<16xi32>
      tpu.vector_store_idx %arg9[%broadcast_in_dim3A_272, %add3A_284], %broadcast_in_dim3A_3 : memref<256x128xf32, #tpu.memory_space<vmem>>[vector<16xi32>, vector<16xi32>], vector<16xf32>,
      %add3A_285 = arith.constant 64 : i32
      %add3A_286 = vector.broadcast %add3A_285 : i32 to vector<16xi32>
      %add3A_287 = arith.addi %iota3A, %add3A_286 : vector<16xi32>
      tpu.vector_store_idx %arg9[%broadcast_in_dim3A_272, %add3A_287], %broadcast_in_dim3A_3 : memref<256x128xf32, #tpu.memory_space<vmem>>[vector<16xi32>, vector<16xi32>], vector<16xf32>,
      %add3A_288 = arith.constant 80 : i32
      %add3A_289 = vector.broadcast %add3A_288 : i32 to vector<16xi32>
      %add3A_290 = arith.addi %iota3A, %add3A_289 : vector<16xi32>
      tpu.vector_store_idx %arg9[%broadcast_in_dim3A_272, %add3A_290], %broadcast_in_dim3A_3 : memref<256x128xf32, #tpu.memory_space<vmem>>[vector<16xi32>, vector<16xi32>], vector<16xf32>,
      %add3A_291 = arith.constant 96 : i32
      %add3A_292 = vector.broadcast %add3A_291 : i32 to vector<16xi32>
      %add3A_293 = arith.addi %iota3A, %add3A_292 : vector<16xi32>
      tpu.vector_store_idx %arg9[%broadcast_in_dim3A_272, %add3A_293], %broadcast_in_dim3A_3 : memref<256x128xf32, #tpu.memory_space<vmem>>[vector<16xi32>, vector<16xi32>], vector<16xf32>,
      %add3A_294 = arith.constant 112 : i32
      %add3A_295 = vector.broadcast %add3A_294 : i32 to vector<16xi32>
      %add3A_296 = arith.addi %iota3A, %add3A_295 : vector<16xi32>
      tpu.vector_store_idx %arg9[%broadcast_in_dim3A_272, %add3A_296], %broadcast_in_dim3A_3 : memref<256x128xf32, #tpu.memory_space<vmem>>[vector<16xi32>, vector<16xi32>], vector<16xf32>,
    }
    %scan3A_8 = arith.constant 256 : i32
    %lt3A = arith.constant 15 : i32
    %lt3A_9 = arith.cmpi slt, %arg1, %lt3A : i32
    %convert_element_type3A = arith.extui %lt3A_9 : i1 to i32
    %cond3A = arith.constant 0 : i32
    %cond3A_10 = arith.cmpi ne, %convert_element_type3A, %cond3A : i32
    scf.if %cond3A_10 {
      %mul3A_271 = arith.constant 632 : i32
      %mul3A_272 = arith.muli %arg1, %mul3A_271 : i32
      "tpu.region"() ({
        %run_scoped3A = tpu.sem_alloc : memref<!tpu.dma_semaphore, #tpu.memory_space<semaphore_mem>>
        %dma_start3A = arith.constant 0 : i32
        %dma_start3A_277 = arith.constant 0 : i32
        %dma_start3A_278 = tpu.memref_slice %arg9[%dma_start3A, %dma_start3A_277] : memref<256x128xf32, #tpu.memory_space<vmem>> -> memref<512x128xf32, #tpu.memory_space<vmem>>
        %dma_start3A_279 = arith.constant 0 : i32
        %dma_start3A_280 = tpu.memref_slice %arg12[%mul3A_272, %dma_start3A_279] : memref<10001x128xf32, #tpu.memory_space<vmem_shared>> -> memref<512x128xf32, #tpu.memory_space<vmem_shared>>
        %dma_start3A_281 = arith.constant 0 : i32
        %dma_start3A_282 = tpu.memref_slice %arg12[%mul3A_272, %dma_start3A_281] : memref<10001x128xf32, #tpu.memory_space<vmem_shared>> -> memref<512x128xf32, #tpu.memory_space<vmem_shared>>
        %dma_start3A_283 = arith.constant 0 : i32
        %dma_start3A_284 = arith.constant 0 : i32
        %dma_start3A_285 = tpu.memref_slice %arg9[%dma_start3A_283, %dma_start3A_284] : memref<256x128xf32, #tpu.memory_space<vmem>> -> memref<512x128xf32, #tpu.memory_space<vmem>>
        tpu.enqueue_dma source(%dma_start3A_285 : memref<512x128xf32, #tpu.memory_space<vmem>>) target(%dma_start3A_282 : memref<512x128xf32, #tpu.memory_space<vmem_shared>>) target_semaphore(%run_scoped3A : memref<!tpu.dma_semaphore, #tpu.memory_space<semaphore_mem>>)
        %dma_wait3A = arith.constant 0 : i32
        %dma_wait3A_286 = arith.constant 0 : i32
        %dma_wait3A_287 = tpu.memref_slice %arg9[%dma_wait3A, %dma_wait3A_286] : memref<256x128xf32, #tpu.memory_space<vmem>> -> memref<512x128xf32, #tpu.memory_space<vmem>>
        %dma_wait3A_288 = arith.constant 0 : i32
        %dma_wait3A_289 = tpu.memref_slice %arg12[%mul3A_272, %dma_wait3A_288] : memref<10001x128xf32, #tpu.memory_space<vmem_shared>> -> memref<512x128xf32, #tpu.memory_space<vmem_shared>>
        %dma_wait3A_290 = arith.constant 0 : i32
        %dma_wait3A_291 = tpu.memref_slice %arg12[%mul3A_272, %dma_wait3A_290] : memref<10001x128xf32, #tpu.memory_space<vmem_shared>> -> memref<512x128xf32, #tpu.memory_space<vmem_shared>>
        %dma_wait3A_292 = arith.constant 0 : i32
        %dma_wait3A_293 = arith.constant 0 : i32
        %dma_wait3A_294 = tpu.memref_slice %arg9[%dma_wait3A_292, %dma_wait3A_293] : memref<256x128xf32, #tpu.memory_space<vmem>> -> memref<512x128xf32, #tpu.memory_space<vmem>>
        tpu.wait_dma2 semaphore(%run_scoped3A : memref<!tpu.dma_semaphore, #tpu.memory_space<semaphore_mem>>) src(%dma_wait3A_294 : memref<512x128xf32, #tpu.memory_space<vmem>>) dst(%dma_wait3A_291 : memref<512x128xf32, #tpu.memory_space<vmem_shared>>)
        tpu.yield
      }) : () -> ()
      %mul3A_273 = arith.constant 632 : i32
      %mul3A_274 = arith.muli %arg1, %mul3A_273 : i32
      %add3A_275 = arith.constant 512 : i32
      %add3A_276 = arith.addi %mul3A_274, %add3A_275 : i32
      "tpu.region"() ({
        %run_scoped3A = tpu.sem_alloc : memref<!tpu.dma_semaphore, #tpu.memory_space<semaphore_mem>>
        %dma_start3A = arith.constant 0 : i32
        %dma_start3A_277 = arith.constant 0 : i32
        %dma_start3A_278 = tpu.memref_slice %arg9[%dma_start3A, %dma_start3A_277] : memref<256x128xf32, #tpu.memory_space<vmem>> -> memref<120x128xf32, #tpu.memory_space<vmem>>
        %dma_start3A_279 = arith.constant 0 : i32
        %dma_start3A_280 = tpu.memref_slice %arg12[%add3A_276, %dma_start3A_279] : memref<10001x128xf32, #tpu.memory_space<vmem_shared>> -> memref<120x128xf32, #tpu.memory_space<vmem_shared>>
        %dma_start3A_281 = arith.constant 0 : i32
        %dma_start3A_282 = tpu.memref_slice %arg12[%add3A_276, %dma_start3A_281] : memref<10001x128xf32, #tpu.memory_space<vmem_shared>> -> memref<120x128xf32, #tpu.memory_space<vmem_shared>>
        %dma_start3A_283 = arith.constant 0 : i32
        %dma_start3A_284 = arith.constant 0 : i32
        %dma_start3A_285 = tpu.memref_slice %arg9[%dma_start3A_283, %dma_start3A_284] : memref<256x128xf32, #tpu.memory_space<vmem>> -> memref<120x128xf32, #tpu.memory_space<vmem>>
        tpu.enqueue_dma source(%dma_start3A_285 : memref<120x128xf32, #tpu.memory_space<vmem>>) target(%dma_start3A_282 : memref<120x128xf32, #tpu.memory_space<vmem_shared>>) target_semaphore(%run_scoped3A : memref<!tpu.dma_semaphore, #tpu.memory_space<semaphore_mem>>)
        %dma_wait3A = arith.constant 0 : i32
        %dma_wait3A_286 = arith.constant 0 : i32
        %dma_wait3A_287 = tpu.memref_slice %arg9[%dma_wait3A, %dma_wait3A_286] : memref<256x128xf32, #tpu.memory_space<vmem>> -> memref<120x128xf32, #tpu.memory_space<vmem>>
        %dma_wait3A_288 = arith.constant 0 : i32
        %dma_wait3A_289 = tpu.memref_slice %arg12[%add3A_276, %dma_wait3A_288] : memref<10001x128xf32, #tpu.memory_space<vmem_shared>> -> memref<120x128xf32, #tpu.memory_space<vmem_shared>>
        %dma_wait3A_290 = arith.constant 0 : i32
        %dma_wait3A_291 = tpu.memref_slice %arg12[%add3A_276, %dma_wait3A_290] : memref<10001x128xf32, #tpu.memory_space<vmem_shared>> -> memref<120x128xf32, #tpu.memory_space<vmem_shared>>
        %dma_wait3A_292 = arith.constant 0 : i32
        %dma_wait3A_293 = arith.constant 0 : i32
        %dma_wait3A_294 = tpu.memref_slice %arg9[%dma_wait3A_292, %dma_wait3A_293] : memref<256x128xf32, #tpu.memory_space<vmem>> -> memref<120x128xf32, #tpu.memory_space<vmem>>
        tpu.wait_dma2 semaphore(%run_scoped3A : memref<!tpu.dma_semaphore, #tpu.memory_space<semaphore_mem>>) src(%dma_wait3A_294 : memref<120x128xf32, #tpu.memory_space<vmem>>) dst(%dma_wait3A_291 : memref<120x128xf32, #tpu.memory_space<vmem_shared>>)
        tpu.yield
      }) : () -> ()
    } else {
    }
    %eq3A = arith.constant 15 : i32
    %eq3A_11 = arith.cmpi eq, %arg1, %eq3A : i32
    %convert_element_type3A_12 = arith.extui %eq3A_11 : i1 to i32
    %cond3A_13 = arith.constant 0 : i32
    %cond3A_14 = arith.cmpi ne, %convert_element_type3A_12, %cond3A_13 : i32
    scf.if %cond3A_14 {
      "tpu.region"() ({
        %run_scoped3A = tpu.sem_alloc : memref<!tpu.dma_semaphore, #tpu.memory_space<semaphore_mem>>
        %dma_start3A = arith.constant 0 : i32
        %dma_start3A_271 = arith.constant 0 : i32
        %dma_start3A_272 = tpu.memref_slice %arg9[%dma_start3A, %dma_start3A_271] : memref<256x128xf32, #tpu.memory_space<vmem>> -> memref<512x128xf32, #tpu.memory_space<vmem>>
        %dma_start3A_273 = arith.constant 9480 : i32
        %dma_start3A_274 = arith.constant 0 : i32
        %dma_start3A_275 = tpu.memref_slice %arg12[%dma_start3A_273, %dma_start3A_274] : memref<10001x128xf32, #tpu.memory_space<vmem_shared>> -> memref<512x128xf32, #tpu.memory_space<vmem_shared>>
        %dma_start3A_276 = arith.constant 9480 : i32
        %dma_start3A_277 = arith.constant 0 : i32
        %dma_start3A_278 = tpu.memref_slice %arg12[%dma_start3A_276, %dma_start3A_277] : memref<10001x128xf32, #tpu.memory_space<vmem_shared>> -> memref<512x128xf32, #tpu.memory_space<vmem_shared>>
        %dma_start3A_279 = arith.constant 0 : i32
        %dma_start3A_280 = arith.constant 0 : i32
        %dma_start3A_281 = tpu.memref_slice %arg9[%dma_start3A_279, %dma_start3A_280] : memref<256x128xf32, #tpu.memory_space<vmem>> -> memref<512x128xf32, #tpu.memory_space<vmem>>
        tpu.enqueue_dma source(%dma_start3A_281 : memref<512x128xf32, #tpu.memory_space<vmem>>) target(%dma_start3A_278 : memref<512x128xf32, #tpu.memory_space<vmem_shared>>) target_semaphore(%run_scoped3A : memref<!tpu.dma_semaphore, #tpu.memory_space<semaphore_mem>>)
        %dma_wait3A = arith.constant 0 : i32
        %dma_wait3A_282 = arith.constant 0 : i32
        %dma_wait3A_283 = tpu.memref_slice %arg9[%dma_wait3A, %dma_wait3A_282] : memref<256x128xf32, #tpu.memory_space<vmem>> -> memref<512x128xf32, #tpu.memory_space<vmem>>
        %dma_wait3A_284 = arith.constant 9480 : i32
        %dma_wait3A_285 = arith.constant 0 : i32
        %dma_wait3A_286 = tpu.memref_slice %arg12[%dma_wait3A_284, %dma_wait3A_285] : memref<10001x128xf32, #tpu.memory_space<vmem_shared>> -> memref<512x128xf32, #tpu.memory_space<vmem_shared>>
        %dma_wait3A_287 = arith.constant 9480 : i32
        %dma_wait3A_288 = arith.constant 0 : i32
        %dma_wait3A_289 = tpu.memref_slice %arg12[%dma_wait3A_287, %dma_wait3A_288] : memref<10001x128xf32, #tpu.memory_space<vmem_shared>> -> memref<512x128xf32, #tpu.memory_space<vmem_shared>>
        %dma_wait3A_290 = arith.constant 0 : i32
        %dma_wait3A_291 = arith.constant 0 : i32
        %dma_wait3A_292 = tpu.memref_slice %arg9[%dma_wait3A_290, %dma_wait3A_291] : memref<256x128xf32, #tpu.memory_space<vmem>> -> memref<512x128xf32, #tpu.memory_space<vmem>>
        tpu.wait_dma2 semaphore(%run_scoped3A : memref<!tpu.dma_semaphore, #tpu.memory_space<semaphore_mem>>) src(%dma_wait3A_292 : memref<512x128xf32, #tpu.memory_space<vmem>>) dst(%dma_wait3A_289 : memref<512x128xf32, #tpu.memory_space<vmem_shared>>)
        tpu.yield
      }) : () -> ()
      "tpu.region"() ({
        %run_scoped3A = tpu.sem_alloc : memref<!tpu.dma_semaphore, #tpu.memory_space<semaphore_mem>>
        %dma_start3A = arith.constant 0 : i32
        %dma_start3A_271 = arith.constant 0 : i32
        %dma_start3A_272 = tpu.memref_slice %arg9[%dma_start3A, %dma_start3A_271] : memref<256x128xf32, #tpu.memory_space<vmem>> -> memref<9x128xf32, #tpu.memory_space<vmem>>
        %dma_start3A_273 = arith.constant 9992 : i32
        %dma_start3A_274 = arith.constant 0 : i32
        %dma_start3A_275 = tpu.memref_slice %arg12[%dma_start3A_273, %dma_start3A_274] : memref<10001x128xf32, #tpu.memory_space<vmem_shared>> -> memref<9x128xf32, #tpu.memory_space<vmem_shared>>
        %dma_start3A_276 = arith.constant 9992 : i32
        %dma_start3A_277 = arith.constant 0 : i32
        %dma_start3A_278 = tpu.memref_slice %arg12[%dma_start3A_276, %dma_start3A_277] : memref<10001x128xf32, #tpu.memory_space<vmem_shared>> -> memref<9x128xf32, #tpu.memory_space<vmem_shared>>
        %dma_start3A_279 = arith.constant 0 : i32
        %dma_start3A_280 = arith.constant 0 : i32
        %dma_start3A_281 = tpu.memref_slice %arg9[%dma_start3A_279, %dma_start3A_280] : memref<256x128xf32, #tpu.memory_space<vmem>> -> memref<9x128xf32, #tpu.memory_space<vmem>>
        tpu.enqueue_dma source(%dma_start3A_281 : memref<9x128xf32, #tpu.memory_space<vmem>>) target(%dma_start3A_278 : memref<9x128xf32, #tpu.memory_space<vmem_shared>>) target_semaphore(%run_scoped3A : memref<!tpu.dma_semaphore, #tpu.memory_space<semaphore_mem>>)
        %dma_wait3A = arith.constant 0 : i32
        %dma_wait3A_282 = arith.constant 0 : i32
        %dma_wait3A_283 = tpu.memref_slice %arg9[%dma_wait3A, %dma_wait3A_282] : memref<256x128xf32, #tpu.memory_space<vmem>> -> memref<9x128xf32, #tpu.memory_space<vmem>>
        %dma_wait3A_284 = arith.constant 9992 : i32
        %dma_wait3A_285 = arith.constant 0 : i32
        %dma_wait3A_286 = tpu.memref_slice %arg12[%dma_wait3A_284, %dma_wait3A_285] : memref<10001x128xf32, #tpu.memory_space<vmem_shared>> -> memref<9x128xf32, #tpu.memory_space<vmem_shared>>
        %dma_wait3A_287 = arith.constant 9992 : i32
        %dma_wait3A_288 = arith.constant 0 : i32
        %dma_wait3A_289 = tpu.memref_slice %arg12[%dma_wait3A_287, %dma_wait3A_288] : memref<10001x128xf32, #tpu.memory_space<vmem_shared>> -> memref<9x128xf32, #tpu.memory_space<vmem_shared>>
        %dma_wait3A_290 = arith.constant 0 : i32
        %dma_wait3A_291 = arith.constant 0 : i32
        %dma_wait3A_292 = tpu.memref_slice %arg9[%dma_wait3A_290, %dma_wait3A_291] : memref<256x128xf32, #tpu.memory_space<vmem>> -> memref<9x128xf32, #tpu.memory_space<vmem>>
        tpu.wait_dma2 semaphore(%run_scoped3A : memref<!tpu.dma_semaphore, #tpu.memory_space<semaphore_mem>>) src(%dma_wait3A_292 : memref<9x128xf32, #tpu.memory_space<vmem>>) dst(%dma_wait3A_289 : memref<9x128xf32, #tpu.memory_space<vmem_shared>>)
        tpu.yield
      }) : () -> ()
    } else {
    }
    %barrier3A = arith.constant 0 : index
    tpu.barrier barrier_id(%barrier3A)
    %broadcast_in_dim3A_15 = arith.constant 0.000000e+00 : f32
    %broadcast_in_dim3A_16 = vector.broadcast %broadcast_in_dim3A_15 : f32 to vector<16xf32>
    %broadcast_in_dim3A_17 = arith.constant 0.000000e+00 : f32
    %broadcast_in_dim3A_18 = vector.broadcast %broadcast_in_dim3A_17 : f32 to vector<16xf32>
    %broadcast_in_dim3A_19 = arith.constant 0.000000e+00 : f32
    %broadcast_in_dim3A_20 = vector.broadcast %broadcast_in_dim3A_19 : f32 to vector<16xf32>
    %broadcast_in_dim3A_21 = arith.constant 0.000000e+00 : f32
    %broadcast_in_dim3A_22 = vector.broadcast %broadcast_in_dim3A_21 : f32 to vector<16xf32>
    %broadcast_in_dim3A_23 = arith.constant 0.000000e+00 : f32
    %broadcast_in_dim3A_24 = vector.broadcast %broadcast_in_dim3A_23 : f32 to vector<16xf32>
    %broadcast_in_dim3A_25 = arith.constant 0.000000e+00 : f32
    %broadcast_in_dim3A_26 = vector.broadcast %broadcast_in_dim3A_25 : f32 to vector<16xf32>
    %broadcast_in_dim3A_27 = arith.constant 0.000000e+00 : f32
    %broadcast_in_dim3A_28 = vector.broadcast %broadcast_in_dim3A_27 : f32 to vector<16xf32>
    %broadcast_in_dim3A_29 = arith.constant 0.000000e+00 : f32
    %broadcast_in_dim3A_30 = vector.broadcast %broadcast_in_dim3A_29 : f32 to vector<16xf32>
    %scan3A_31 = arith.constant 0 : i32
    %scan3A_32 = arith.constant 0 : i32
    %scan3A_33 = arith.constant 0 : i32
    %scan3A_34 = arith.constant 10 : i32
    %scan3A_35 = arith.addi %scan3A_33, %scan3A_34 : i32
    %scan3A_36 = arith.constant 1 : i32
    %scan3A_37:10 = scf.for %scan3A_271 = %scan3A_33 to %scan3A_35 step %scan3A_36 iter_args(%scan3A_272 = %scan3A_31, %scan3A_273 = %scan3A_32, %scan3A_274 = %broadcast_in_dim3A_16, %scan3A_275 = %broadcast_in_dim3A_18, %scan3A_276 = %broadcast_in_dim3A_20, %scan3A_277 = %broadcast_in_dim3A_22, %scan3A_278 = %broadcast_in_dim3A_24, %scan3A_279 = %broadcast_in_dim3A_26, %scan3A_280 = %broadcast_in_dim3A_28, %scan3A_281 = %broadcast_in_dim3A_30) -> (i32, i32, vector<16xf32>, vector<16xf32>, vector<16xf32>, vector<16xf32>, vector<16xf32>, vector<16xf32>, vector<16xf32>, vector<16xf32>)  : i32 {
      %mul3A_282 = arith.constant 1000 : i32
      %mul3A_283 = arith.muli %scan3A_271, %mul3A_282 : i32
      %add3A_284 = arith.addi %mul3A_2, %mul3A_283 : i32
      "tpu.region"() ({
        %run_scoped3A = tpu.sem_alloc : memref<!tpu.dma_semaphore, #tpu.memory_space<semaphore_mem>>
        %dma_start3A = tpu.memref_slice %arg4[%add3A_284] : memref<320000xi32, #tpu.memory_space<hbm>> -> memref<1000xi32, #tpu.memory_space<hbm>>
        %dma_start3A_294 = tpu.memref_slice %arg4[%add3A_284] : memref<320000xi32, #tpu.memory_space<hbm>> -> memref<1000xi32, #tpu.memory_space<hbm>>
        tpu.enqueue_dma source(%dma_start3A_294 : memref<1000xi32, #tpu.memory_space<hbm>>) target(%arg8 : memref<1000xi32, #tpu.memory_space<vmem>>) target_semaphore(%run_scoped3A : memref<!tpu.dma_semaphore, #tpu.memory_space<semaphore_mem>>)
        %dma_wait3A = tpu.memref_slice %arg4[%add3A_284] : memref<320000xi32, #tpu.memory_space<hbm>> -> memref<1000xi32, #tpu.memory_space<hbm>>
        %dma_wait3A_295 = tpu.memref_slice %arg4[%add3A_284] : memref<320000xi32, #tpu.memory_space<hbm>> -> memref<1000xi32, #tpu.memory_space<hbm>>
        tpu.wait_dma2 semaphore(%run_scoped3A : memref<!tpu.dma_semaphore, #tpu.memory_space<semaphore_mem>>) src(%dma_wait3A_295 : memref<1000xi32, #tpu.memory_space<hbm>>) dst(%arg8 : memref<1000xi32, #tpu.memory_space<vmem>>)
        tpu.yield
      }) : () -> ()
      %mul3A_285 = arith.constant 1000 : i32
      %mul3A_286 = arith.muli %scan3A_271, %mul3A_285 : i32
      %add3A_287 = arith.addi %mul3A_2, %mul3A_286 : i32
      "tpu.region"() ({
        %run_scoped3A = tpu.sem_alloc : memref<!tpu.dma_semaphore, #tpu.memory_space<semaphore_mem>>
        %dma_start3A = tpu.memref_slice %arg3[%add3A_287] : memref<320000xf32, #tpu.memory_space<hbm>> -> memref<1000xf32, #tpu.memory_space<hbm>>
        %dma_start3A_294 = tpu.memref_slice %arg3[%add3A_287] : memref<320000xf32, #tpu.memory_space<hbm>> -> memref<1000xf32, #tpu.memory_space<hbm>>
        tpu.enqueue_dma source(%dma_start3A_294 : memref<1000xf32, #tpu.memory_space<hbm>>) target(%arg7 : memref<1000xf32, #tpu.memory_space<vmem>>) target_semaphore(%run_scoped3A : memref<!tpu.dma_semaphore, #tpu.memory_space<semaphore_mem>>)
        %dma_wait3A = tpu.memref_slice %arg3[%add3A_287] : memref<320000xf32, #tpu.memory_space<hbm>> -> memref<1000xf32, #tpu.memory_space<hbm>>
        %dma_wait3A_295 = tpu.memref_slice %arg3[%add3A_287] : memref<320000xf32, #tpu.memory_space<hbm>> -> memref<1000xf32, #tpu.memory_space<hbm>>
        tpu.wait_dma2 semaphore(%run_scoped3A : memref<!tpu.dma_semaphore, #tpu.memory_space<semaphore_mem>>) src(%dma_wait3A_295 : memref<1000xf32, #tpu.memory_space<hbm>>) dst(%arg7 : memref<1000xf32, #tpu.memory_space<vmem>>)
        tpu.yield
      }) : () -> ()
      %scan3A_288 = arith.constant 0 : i32
      %scan3A_289 = arith.constant 10 : i32
      %scan3A_290 = arith.addi %scan3A_288, %scan3A_289 : i32
      %scan3A_291 = arith.constant 1 : i32
      %scan3A_292:10 = scf.for %scan3A_294 = %scan3A_288 to %scan3A_290 step %scan3A_291 iter_args(%scan3A_295 = %scan3A_272, %scan3A_296 = %scan3A_273, %scan3A_297 = %scan3A_274, %scan3A_298 = %scan3A_275, %scan3A_299 = %scan3A_276, %scan3A_300 = %scan3A_277, %scan3A_301 = %scan3A_278, %scan3A_302 = %scan3A_279, %scan3A_303 = %scan3A_280, %scan3A_304 = %scan3A_281) -> (i32, i32, vector<16xf32>, vector<16xf32>, vector<16xf32>, vector<16xf32>, vector<16xf32>, vector<16xf32>, vector<16xf32>, vector<16xf32>)  : i32 {
        %mul3A_305 = arith.constant 1000 : i32
        %mul3A_306 = arith.muli %scan3A_271, %mul3A_305 : i32
        %mul3A_307 = arith.constant 100 : i32
        %mul3A_308 = arith.muli %scan3A_294, %mul3A_307 : i32
        %add3A_309 = arith.addi %mul3A_306, %mul3A_308 : i32
        %add3A_310 = arith.addi %mul3A_2, %add3A_309 : i32
        %mul3A_311 = arith.constant 128 : i32
        %mul3A_312 = arith.muli %add3A_310, %mul3A_311 : i32
        "tpu.region"() ({
          %run_scoped3A = tpu.sem_alloc : memref<!tpu.dma_semaphore, #tpu.memory_space<semaphore_mem>>
          %dma_start3A = tpu.memref_slice %arg2[%mul3A_312] : memref<40960000xf32, #tpu.memory_space<hbm>> -> memref<12800xf32, #tpu.memory_space<hbm>>
          %dma_start3A_319 = tpu.memref_slice %arg2[%mul3A_312] : memref<40960000xf32, #tpu.memory_space<hbm>> -> memref<12800xf32, #tpu.memory_space<hbm>>
          tpu.enqueue_dma source(%dma_start3A_319 : memref<12800xf32, #tpu.memory_space<hbm>>) target(%arg6 : memref<12800xf32, #tpu.memory_space<vmem>>) target_semaphore(%run_scoped3A : memref<!tpu.dma_semaphore, #tpu.memory_space<semaphore_mem>>)
          %dma_wait3A = tpu.memref_slice %arg2[%mul3A_312] : memref<40960000xf32, #tpu.memory_space<hbm>> -> memref<12800xf32, #tpu.memory_space<hbm>>
          %dma_wait3A_320 = tpu.memref_slice %arg2[%mul3A_312] : memref<40960000xf32, #tpu.memory_space<hbm>> -> memref<12800xf32, #tpu.memory_space<hbm>>
          tpu.wait_dma2 semaphore(%run_scoped3A : memref<!tpu.dma_semaphore, #tpu.memory_space<semaphore_mem>>) src(%dma_wait3A_320 : memref<12800xf32, #tpu.memory_space<hbm>>) dst(%arg6 : memref<12800xf32, #tpu.memory_space<vmem>>)
          tpu.yield
        }) : () -> ()
        %scan3A_313 = arith.constant 0 : i32
        %scan3A_314 = arith.constant 100 : i32
        %scan3A_315 = arith.addi %scan3A_313, %scan3A_314 : i32
        %scan3A_316 = arith.constant 1 : i32
        %scan3A_317:10 = scf.for %scan3A_319 = %scan3A_313 to %scan3A_315 step %scan3A_316 iter_args(%scan3A_320 = %scan3A_295, %scan3A_321 = %scan3A_296, %scan3A_322 = %scan3A_297, %scan3A_323 = %scan3A_298, %scan3A_324 = %scan3A_299, %scan3A_325 = %scan3A_300, %scan3A_326 = %scan3A_301, %scan3A_327 = %scan3A_302, %scan3A_328 = %scan3A_303, %scan3A_329 = %scan3A_304) -> (i32, i32, vector<16xf32>, vector<16xf32>, vector<16xf32>, vector<16xf32>, vector<16xf32>, vector<16xf32>, vector<16xf32>, vector<16xf32>)  : i32 {
          %mul3A_330 = arith.constant 100 : i32
          %mul3A_331 = arith.muli %scan3A_294, %mul3A_330 : i32
          %add3A_332 = arith.addi %mul3A_331, %scan3A_319 : i32
          %broadcast_in_dim3A_333 = vector.broadcast %add3A_332 : i32 to vector<16xi32>
          %gather3A = tpu.vector_load_idx %arg8[%broadcast_in_dim3A_333] : memref<1000xi32, #tpu.memory_space<vmem>>[vector<16xi32>], vector<16xi32>,
          %reduce_max3A = arith.constant true
          %reduce_max3A_334 = vector.broadcast %reduce_max3A : i1 to vector<16xi1>
          %reduce_max3A_335 = arith.constant -2147483648 : i32
          %reduce_max3A_336 = vector.broadcast %reduce_max3A_335 : i32 to vector<16xi32>
          %reduce_max3A_337 = arith.xori %gather3A, %reduce_max3A_336 : vector<16xi32>
          %reduce_max3A_338 = tpu.scan <max>, %reduce_max3A_337 masked %reduce_max3A_334 : vector<16xi32>, vector<16xi1> -> vector<16xi32>
          %reduce_max3A_339 = arith.xori %reduce_max3A_338, %reduce_max3A_336 : vector<16xi32>
          %reduce_max3A_340 = vector.extract %reduce_max3A_339[15] : i32 from vector<16xi32>
          %gather3A_341 = tpu.vector_load_idx %arg7[%broadcast_in_dim3A_333] : memref<1000xf32, #tpu.memory_space<vmem>>[vector<16xi32>], vector<16xf32>,
          %ne3A = arith.cmpi ne, %reduce_max3A_340, %scan3A_321 : i32
          %convert_element_type3A_342 = arith.extui %ne3A : i1 to i32
          %cond3A_343 = arith.constant 0 : i32
          %cond3A_344 = arith.cmpi ne, %convert_element_type3A_342, %cond3A_343 : i32
          scf.if %cond3A_344 {
            %sub3A_422 = arith.subi %scan3A_321, %scan3A_320 : i32
            %broadcast_in_dim3A_423 = vector.broadcast %sub3A_422 : i32 to vector<16xi32>
            %add3A_424 = arith.constant 0 : i32
            %add3A_425 = vector.broadcast %add3A_424 : i32 to vector<16xi32>
            %add3A_426 = arith.addi %iota3A, %add3A_425 : vector<16xi32>
            tpu.vector_store_idx %arg9[%broadcast_in_dim3A_423, %add3A_426], %scan3A_322 {add = true} : memref<256x128xf32, #tpu.memory_space<vmem>>[vector<16xi32>, vector<16xi32>], vector<16xf32>,
            %add3A_427 = arith.constant 16 : i32
            %add3A_428 = vector.broadcast %add3A_427 : i32 to vector<16xi32>
            %add3A_429 = arith.addi %iota3A, %add3A_428 : vector<16xi32>
            tpu.vector_store_idx %arg9[%broadcast_in_dim3A_423, %add3A_429], %scan3A_323 {add = true} : memref<256x128xf32, #tpu.memory_space<vmem>>[vector<16xi32>, vector<16xi32>], vector<16xf32>,
            %add3A_430 = arith.constant 32 : i32
            %add3A_431 = vector.broadcast %add3A_430 : i32 to vector<16xi32>
            %add3A_432 = arith.addi %iota3A, %add3A_431 : vector<16xi32>
            tpu.vector_store_idx %arg9[%broadcast_in_dim3A_423, %add3A_432], %scan3A_324 {add = true} : memref<256x128xf32, #tpu.memory_space<vmem>>[vector<16xi32>, vector<16xi32>], vector<16xf32>,
            %add3A_433 = arith.constant 48 : i32
            %add3A_434 = vector.broadcast %add3A_433 : i32 to vector<16xi32>
            %add3A_435 = arith.addi %iota3A, %add3A_434 : vector<16xi32>
            tpu.vector_store_idx %arg9[%broadcast_in_dim3A_423, %add3A_435], %scan3A_325 {add = true} : memref<256x128xf32, #tpu.memory_space<vmem>>[vector<16xi32>, vector<16xi32>], vector<16xf32>,
            %add3A_436 = arith.constant 64 : i32
            %add3A_437 = vector.broadcast %add3A_436 : i32 to vector<16xi32>
            %add3A_438 = arith.addi %iota3A, %add3A_437 : vector<16xi32>
            tpu.vector_store_idx %arg9[%broadcast_in_dim3A_423, %add3A_438], %scan3A_326 {add = true} : memref<256x128xf32, #tpu.memory_space<vmem>>[vector<16xi32>, vector<16xi32>], vector<16xf32>,
            %add3A_439 = arith.constant 80 : i32
            %add3A_440 = vector.broadcast %add3A_439 : i32 to vector<16xi32>
            %add3A_441 = arith.addi %iota3A, %add3A_440 : vector<16xi32>
            tpu.vector_store_idx %arg9[%broadcast_in_dim3A_423, %add3A_441], %scan3A_327 {add = true} : memref<256x128xf32, #tpu.memory_space<vmem>>[vector<16xi32>, vector<16xi32>], vector<16xf32>,
            %add3A_442 = arith.constant 96 : i32
            %add3A_443 = vector.broadcast %add3A_442 : i32 to vector<16xi32>
            %add3A_444 = arith.addi %iota3A, %add3A_443 : vector<16xi32>
            tpu.vector_store_idx %arg9[%broadcast_in_dim3A_423, %add3A_444], %scan3A_328 {add = true} : memref<256x128xf32, #tpu.memory_space<vmem>>[vector<16xi32>, vector<16xi32>], vector<16xf32>,
            %add3A_445 = arith.constant 112 : i32
            %add3A_446 = vector.broadcast %add3A_445 : i32 to vector<16xi32>
            %add3A_447 = arith.addi %iota3A, %add3A_446 : vector<16xi32>
            tpu.vector_store_idx %arg9[%broadcast_in_dim3A_423, %add3A_447], %scan3A_329 {add = true} : memref<256x128xf32, #tpu.memory_space<vmem>>[vector<16xi32>, vector<16xi32>], vector<16xf32>,
          } else {
          }
          %sub3A_345 = arith.subi %reduce_max3A_340, %scan3A_320 : i32
          %ge3A = arith.constant 256 : i32
          %ge3A_346 = arith.cmpi sge, %sub3A_345, %ge3A : i32
          %and3A = arith.andi %ne3A, %ge3A_346 : i1
          %convert_element_type3A_347 = arith.extui %and3A : i1 to i32
          %cond3A_348 = arith.constant 0 : i32
          %cond3A_349 = arith.cmpi ne, %convert_element_type3A_347, %cond3A_348 : i32
          scf.if %cond3A_349 {
            %broadcast_in_dim3A_422 = vector.broadcast %scan3A_320 : i32 to vector<16xi32>
            %add3A_423 = arith.constant 0 : i32
            %add3A_424 = vector.broadcast %add3A_423 : i32 to vector<16xi32>
            %add3A_425 = arith.addi %broadcast_in_dim3A_422, %add3A_424 : vector<16xi32>
            %add3A_426 = arith.addi %add3A_425, %iota3A : vector<16xi32>
            %lt3A_427 = arith.constant 10000 : i32
            %lt3A_428 = vector.broadcast %lt3A_427 : i32 to vector<16xi32>
            %lt3A_429 = arith.cmpi slt, %add3A_426, %lt3A_428 : vector<16xi32>
            %jit3A_430 = arith.constant 10000 : i32
            %broadcast_in_dim3A_431 = vector.broadcast %jit3A_430 : i32 to vector<16xi32>
            %select_n3A_432 = arith.select %lt3A_429, %add3A_426, %broadcast_in_dim3A_431 : vector<16xi1>, vector<16xi32>
            %swap3A_433 = arith.constant 0 : index
            %swap3A_434 = tpu.vector_load %arg10[%swap3A_433] {strides = array<i32>} : memref<128xi32, #tpu.memory_space<vmem>>, vector<16xi32>,
            tpu.vector_store %arg10[%swap3A_433], %select_n3A_432 {strides = array<i32>} : memref<128xi32, #tpu.memory_space<vmem>>, vector<16xi32>,
            %add3A_435 = arith.constant 16 : i32
            %add3A_436 = vector.broadcast %add3A_435 : i32 to vector<16xi32>
            %add3A_437 = arith.addi %broadcast_in_dim3A_422, %add3A_436 : vector<16xi32>
            %add3A_438 = arith.addi %add3A_437, %iota3A : vector<16xi32>
            %lt3A_439 = arith.constant 10000 : i32
            %lt3A_440 = vector.broadcast %lt3A_439 : i32 to vector<16xi32>
            %lt3A_441 = arith.cmpi slt, %add3A_438, %lt3A_440 : vector<16xi32>
            %jit3A_442 = arith.constant 10000 : i32
            %broadcast_in_dim3A_443 = vector.broadcast %jit3A_442 : i32 to vector<16xi32>
            %select_n3A_444 = arith.select %lt3A_441, %add3A_438, %broadcast_in_dim3A_443 : vector<16xi1>, vector<16xi32>
            %swap3A_445 = arith.constant 16 : index
            %swap3A_446 = tpu.vector_load %arg10[%swap3A_445] {strides = array<i32>} : memref<128xi32, #tpu.memory_space<vmem>>, vector<16xi32>,
            tpu.vector_store %arg10[%swap3A_445], %select_n3A_444 {strides = array<i32>} : memref<128xi32, #tpu.memory_space<vmem>>, vector<16xi32>,
            %add3A_447 = arith.constant 32 : i32
            %add3A_448 = vector.broadcast %add3A_447 : i32 to vector<16xi32>
            %add3A_449 = arith.addi %broadcast_in_dim3A_422, %add3A_448 : vector<16xi32>
            %add3A_450 = arith.addi %add3A_449, %iota3A : vector<16xi32>
            %lt3A_451 = arith.constant 10000 : i32
            %lt3A_452 = vector.broadcast %lt3A_451 : i32 to vector<16xi32>
            %lt3A_453 = arith.cmpi slt, %add3A_450, %lt3A_452 : vector<16xi32>
            %jit3A_454 = arith.constant 10000 : i32
            %broadcast_in_dim3A_455 = vector.broadcast %jit3A_454 : i32 to vector<16xi32>
            %select_n3A_456 = arith.select %lt3A_453, %add3A_450, %broadcast_in_dim3A_455 : vector<16xi1>, vector<16xi32>
            %swap3A_457 = arith.constant 32 : index
            %swap3A_458 = tpu.vector_load %arg10[%swap3A_457] {strides = array<i32>} : memref<128xi32, #tpu.memory_space<vmem>>, vector<16xi32>,
            tpu.vector_store %arg10[%swap3A_457], %select_n3A_456 {strides = array<i32>} : memref<128xi32, #tpu.memory_space<vmem>>, vector<16xi32>,
            %add3A_459 = arith.constant 48 : i32
            %add3A_460 = vector.broadcast %add3A_459 : i32 to vector<16xi32>
            %add3A_461 = arith.addi %broadcast_in_dim3A_422, %add3A_460 : vector<16xi32>
            %add3A_462 = arith.addi %add3A_461, %iota3A : vector<16xi32>
            %lt3A_463 = arith.constant 10000 : i32
            %lt3A_464 = vector.broadcast %lt3A_463 : i32 to vector<16xi32>
            %lt3A_465 = arith.cmpi slt, %add3A_462, %lt3A_464 : vector<16xi32>
            %jit3A_466 = arith.constant 10000 : i32
            %broadcast_in_dim3A_467 = vector.broadcast %jit3A_466 : i32 to vector<16xi32>
            %select_n3A_468 = arith.select %lt3A_465, %add3A_462, %broadcast_in_dim3A_467 : vector<16xi1>, vector<16xi32>
            %swap3A_469 = arith.constant 48 : index
            %swap3A_470 = tpu.vector_load %arg10[%swap3A_469] {strides = array<i32>} : memref<128xi32, #tpu.memory_space<vmem>>, vector<16xi32>,
            tpu.vector_store %arg10[%swap3A_469], %select_n3A_468 {strides = array<i32>} : memref<128xi32, #tpu.memory_space<vmem>>, vector<16xi32>,
            %add3A_471 = arith.constant 64 : i32
            %add3A_472 = vector.broadcast %add3A_471 : i32 to vector<16xi32>
            %add3A_473 = arith.addi %broadcast_in_dim3A_422, %add3A_472 : vector<16xi32>
            %add3A_474 = arith.addi %add3A_473, %iota3A : vector<16xi32>
            %lt3A_475 = arith.constant 10000 : i32
            %lt3A_476 = vector.broadcast %lt3A_475 : i32 to vector<16xi32>
            %lt3A_477 = arith.cmpi slt, %add3A_474, %lt3A_476 : vector<16xi32>
            %jit3A_478 = arith.constant 10000 : i32
            %broadcast_in_dim3A_479 = vector.broadcast %jit3A_478 : i32 to vector<16xi32>
            %select_n3A_480 = arith.select %lt3A_477, %add3A_474, %broadcast_in_dim3A_479 : vector<16xi1>, vector<16xi32>
            %swap3A_481 = arith.constant 64 : index
            %swap3A_482 = tpu.vector_load %arg10[%swap3A_481] {strides = array<i32>} : memref<128xi32, #tpu.memory_space<vmem>>, vector<16xi32>,
            tpu.vector_store %arg10[%swap3A_481], %select_n3A_480 {strides = array<i32>} : memref<128xi32, #tpu.memory_space<vmem>>, vector<16xi32>,
            %add3A_483 = arith.constant 80 : i32
            %add3A_484 = vector.broadcast %add3A_483 : i32 to vector<16xi32>
            %add3A_485 = arith.addi %broadcast_in_dim3A_422, %add3A_484 : vector<16xi32>
            %add3A_486 = arith.addi %add3A_485, %iota3A : vector<16xi32>
            %lt3A_487 = arith.constant 10000 : i32
            %lt3A_488 = vector.broadcast %lt3A_487 : i32 to vector<16xi32>
            %lt3A_489 = arith.cmpi slt, %add3A_486, %lt3A_488 : vector<16xi32>
            %jit3A_490 = arith.constant 10000 : i32
            %broadcast_in_dim3A_491 = vector.broadcast %jit3A_490 : i32 to vector<16xi32>
            %select_n3A_492 = arith.select %lt3A_489, %add3A_486, %broadcast_in_dim3A_491 : vector<16xi1>, vector<16xi32>
            %swap3A_493 = arith.constant 80 : index
            %swap3A_494 = tpu.vector_load %arg10[%swap3A_493] {strides = array<i32>} : memref<128xi32, #tpu.memory_space<vmem>>, vector<16xi32>,
            tpu.vector_store %arg10[%swap3A_493], %select_n3A_492 {strides = array<i32>} : memref<128xi32, #tpu.memory_space<vmem>>, vector<16xi32>,
            %add3A_495 = arith.constant 96 : i32
            %add3A_496 = vector.broadcast %add3A_495 : i32 to vector<16xi32>
            %add3A_497 = arith.addi %broadcast_in_dim3A_422, %add3A_496 : vector<16xi32>
            %add3A_498 = arith.addi %add3A_497, %iota3A : vector<16xi32>
            %lt3A_499 = arith.constant 10000 : i32
            %lt3A_500 = vector.broadcast %lt3A_499 : i32 to vector<16xi32>
            %lt3A_501 = arith.cmpi slt, %add3A_498, %lt3A_500 : vector<16xi32>
            %jit3A_502 = arith.constant 10000 : i32
            %broadcast_in_dim3A_503 = vector.broadcast %jit3A_502 : i32 to vector<16xi32>
            %select_n3A_504 = arith.select %lt3A_501, %add3A_498, %broadcast_in_dim3A_503 : vector<16xi1>, vector<16xi32>
            %swap3A_505 = arith.constant 96 : index
            %swap3A_506 = tpu.vector_load %arg10[%swap3A_505] {strides = array<i32>} : memref<128xi32, #tpu.memory_space<vmem>>, vector<16xi32>,
            tpu.vector_store %arg10[%swap3A_505], %select_n3A_504 {strides = array<i32>} : memref<128xi32, #tpu.memory_space<vmem>>, vector<16xi32>,
            %add3A_507 = arith.constant 112 : i32
            %add3A_508 = vector.broadcast %add3A_507 : i32 to vector<16xi32>
            %add3A_509 = arith.addi %broadcast_in_dim3A_422, %add3A_508 : vector<16xi32>
            %add3A_510 = arith.addi %add3A_509, %iota3A : vector<16xi32>
            %lt3A_511 = arith.constant 10000 : i32
            %lt3A_512 = vector.broadcast %lt3A_511 : i32 to vector<16xi32>
            %lt3A_513 = arith.cmpi slt, %add3A_510, %lt3A_512 : vector<16xi32>
            %jit3A_514 = arith.constant 10000 : i32
            %broadcast_in_dim3A_515 = vector.broadcast %jit3A_514 : i32 to vector<16xi32>
            %select_n3A_516 = arith.select %lt3A_513, %add3A_510, %broadcast_in_dim3A_515 : vector<16xi1>, vector<16xi32>
            %swap3A_517 = arith.constant 112 : index
            %swap3A_518 = tpu.vector_load %arg10[%swap3A_517] {strides = array<i32>} : memref<128xi32, #tpu.memory_space<vmem>>, vector<16xi32>,
            tpu.vector_store %arg10[%swap3A_517], %select_n3A_516 {strides = array<i32>} : memref<128xi32, #tpu.memory_space<vmem>>, vector<16xi32>,
            "tpu.region"() ({
              %run_scoped3A = tpu.sem_alloc : memref<!tpu.dma_semaphore, #tpu.memory_space<semaphore_mem>>
              %dma_start3A = arith.constant 0 : i32
              %dma_start3A_621 = arith.constant 0 : i32
              %dma_start3A_622 = tpu.memref_slice %arg9[%dma_start3A, %dma_start3A_621] : memref<256x128xf32, #tpu.memory_space<vmem>> -> memref<128x128xf32, #tpu.memory_space<vmem>>
              %dma_start3A_623 = arith.constant 0 : i32
              %dma_start3A_624 = arith.constant 0 : i32
              %dma_start3A_625 = tpu.memref_slice %arg12[%dma_start3A_623, %dma_start3A_624] : memref<10001x128xf32, #tpu.memory_space<vmem_shared>> -> memref<10001x128xf32, #tpu.memory_space<vmem_shared>>
              tpu.enqueue_indirect_dma source(%dma_start3A_622 : memref<128x128xf32, #tpu.memory_space<vmem>>) target(%dma_start3A_625 : memref<10001x128xf32, #tpu.memory_space<vmem_shared>>) offsets(%arg10 : memref<128xi32, #tpu.memory_space<vmem>>) semaphore(%run_scoped3A : memref<!tpu.dma_semaphore, #tpu.memory_space<semaphore_mem>>) {add = true}
              %dma_wait3A = arith.constant 0 : i32
              %dma_wait3A_626 = arith.constant 0 : i32
              %dma_wait3A_627 = tpu.memref_slice %arg9[%dma_wait3A, %dma_wait3A_626] : memref<256x128xf32, #tpu.memory_space<vmem>> -> memref<128x128xf32, #tpu.memory_space<vmem>>
              %dma_wait3A_628 = arith.constant 0 : i32
              %dma_wait3A_629 = arith.constant 0 : i32
              %dma_wait3A_630 = tpu.memref_slice %arg12[%dma_wait3A_628, %dma_wait3A_629] : memref<10001x128xf32, #tpu.memory_space<vmem_shared>> -> memref<10001x128xf32, #tpu.memory_space<vmem_shared>>
              tpu.wait_indirect_dma semaphore(%run_scoped3A : memref<!tpu.dma_semaphore, #tpu.memory_space<semaphore_mem>>) src(%dma_wait3A_627 : memref<128x128xf32, #tpu.memory_space<vmem>>) dst(%dma_wait3A_630 : memref<10001x128xf32, #tpu.memory_space<vmem_shared>>)
              tpu.yield
            }) : () -> ()
            %add3A_519 = arith.constant 128 : i32
            %add3A_520 = vector.broadcast %add3A_519 : i32 to vector<16xi32>
            %add3A_521 = arith.addi %broadcast_in_dim3A_422, %add3A_520 : vector<16xi32>
            %add3A_522 = arith.addi %add3A_521, %iota3A : vector<16xi32>
            %lt3A_523 = arith.constant 10000 : i32
            %lt3A_524 = vector.broadcast %lt3A_523 : i32 to vector<16xi32>
            %lt3A_525 = arith.cmpi slt, %add3A_522, %lt3A_524 : vector<16xi32>
            %jit3A_526 = arith.constant 10000 : i32
            %broadcast_in_dim3A_527 = vector.broadcast %jit3A_526 : i32 to vector<16xi32>
            %select_n3A_528 = arith.select %lt3A_525, %add3A_522, %broadcast_in_dim3A_527 : vector<16xi1>, vector<16xi32>
            %swap3A_529 = arith.constant 0 : index
            %swap3A_530 = tpu.vector_load %arg11[%swap3A_529] {strides = array<i32>} : memref<128xi32, #tpu.memory_space<vmem>>, vector<16xi32>,
            tpu.vector_store %arg11[%swap3A_529], %select_n3A_528 {strides = array<i32>} : memref<128xi32, #tpu.memory_space<vmem>>, vector<16xi32>,
            %add3A_531 = arith.constant 144 : i32
            %add3A_532 = vector.broadcast %add3A_531 : i32 to vector<16xi32>
            %add3A_533 = arith.addi %broadcast_in_dim3A_422, %add3A_532 : vector<16xi32>
            %add3A_534 = arith.addi %add3A_533, %iota3A : vector<16xi32>
            %lt3A_535 = arith.constant 10000 : i32
            %lt3A_536 = vector.broadcast %lt3A_535 : i32 to vector<16xi32>
            %lt3A_537 = arith.cmpi slt, %add3A_534, %lt3A_536 : vector<16xi32>
            %jit3A_538 = arith.constant 10000 : i32
            %broadcast_in_dim3A_539 = vector.broadcast %jit3A_538 : i32 to vector<16xi32>
            %select_n3A_540 = arith.select %lt3A_537, %add3A_534, %broadcast_in_dim3A_539 : vector<16xi1>, vector<16xi32>
            %swap3A_541 = arith.constant 16 : index
            %swap3A_542 = tpu.vector_load %arg11[%swap3A_541] {strides = array<i32>} : memref<128xi32, #tpu.memory_space<vmem>>, vector<16xi32>,
            tpu.vector_store %arg11[%swap3A_541], %select_n3A_540 {strides = array<i32>} : memref<128xi32, #tpu.memory_space<vmem>>, vector<16xi32>,
            %add3A_543 = arith.constant 160 : i32
            %add3A_544 = vector.broadcast %add3A_543 : i32 to vector<16xi32>
            %add3A_545 = arith.addi %broadcast_in_dim3A_422, %add3A_544 : vector<16xi32>
            %add3A_546 = arith.addi %add3A_545, %iota3A : vector<16xi32>
            %lt3A_547 = arith.constant 10000 : i32
            %lt3A_548 = vector.broadcast %lt3A_547 : i32 to vector<16xi32>
            %lt3A_549 = arith.cmpi slt, %add3A_546, %lt3A_548 : vector<16xi32>
            %jit3A_550 = arith.constant 10000 : i32
            %broadcast_in_dim3A_551 = vector.broadcast %jit3A_550 : i32 to vector<16xi32>
            %select_n3A_552 = arith.select %lt3A_549, %add3A_546, %broadcast_in_dim3A_551 : vector<16xi1>, vector<16xi32>
            %swap3A_553 = arith.constant 32 : index
            %swap3A_554 = tpu.vector_load %arg11[%swap3A_553] {strides = array<i32>} : memref<128xi32, #tpu.memory_space<vmem>>, vector<16xi32>,
            tpu.vector_store %arg11[%swap3A_553], %select_n3A_552 {strides = array<i32>} : memref<128xi32, #tpu.memory_space<vmem>>, vector<16xi32>,
            %add3A_555 = arith.constant 176 : i32
            %add3A_556 = vector.broadcast %add3A_555 : i32 to vector<16xi32>
            %add3A_557 = arith.addi %broadcast_in_dim3A_422, %add3A_556 : vector<16xi32>
            %add3A_558 = arith.addi %add3A_557, %iota3A : vector<16xi32>
            %lt3A_559 = arith.constant 10000 : i32
            %lt3A_560 = vector.broadcast %lt3A_559 : i32 to vector<16xi32>
            %lt3A_561 = arith.cmpi slt, %add3A_558, %lt3A_560 : vector<16xi32>
            %jit3A_562 = arith.constant 10000 : i32
            %broadcast_in_dim3A_563 = vector.broadcast %jit3A_562 : i32 to vector<16xi32>
            %select_n3A_564 = arith.select %lt3A_561, %add3A_558, %broadcast_in_dim3A_563 : vector<16xi1>, vector<16xi32>
            %swap3A_565 = arith.constant 48 : index
            %swap3A_566 = tpu.vector_load %arg11[%swap3A_565] {strides = array<i32>} : memref<128xi32, #tpu.memory_space<vmem>>, vector<16xi32>,
            tpu.vector_store %arg11[%swap3A_565], %select_n3A_564 {strides = array<i32>} : memref<128xi32, #tpu.memory_space<vmem>>, vector<16xi32>,
            %add3A_567 = arith.constant 192 : i32
            %add3A_568 = vector.broadcast %add3A_567 : i32 to vector<16xi32>
            %add3A_569 = arith.addi %broadcast_in_dim3A_422, %add3A_568 : vector<16xi32>
            %add3A_570 = arith.addi %add3A_569, %iota3A : vector<16xi32>
            %lt3A_571 = arith.constant 10000 : i32
            %lt3A_572 = vector.broadcast %lt3A_571 : i32 to vector<16xi32>
            %lt3A_573 = arith.cmpi slt, %add3A_570, %lt3A_572 : vector<16xi32>
            %jit3A_574 = arith.constant 10000 : i32
            %broadcast_in_dim3A_575 = vector.broadcast %jit3A_574 : i32 to vector<16xi32>
            %select_n3A_576 = arith.select %lt3A_573, %add3A_570, %broadcast_in_dim3A_575 : vector<16xi1>, vector<16xi32>
            %swap3A_577 = arith.constant 64 : index
            %swap3A_578 = tpu.vector_load %arg11[%swap3A_577] {strides = array<i32>} : memref<128xi32, #tpu.memory_space<vmem>>, vector<16xi32>,
            tpu.vector_store %arg11[%swap3A_577], %select_n3A_576 {strides = array<i32>} : memref<128xi32, #tpu.memory_space<vmem>>, vector<16xi32>,
            %add3A_579 = arith.constant 208 : i32
            %add3A_580 = vector.broadcast %add3A_579 : i32 to vector<16xi32>
            %add3A_581 = arith.addi %broadcast_in_dim3A_422, %add3A_580 : vector<16xi32>
            %add3A_582 = arith.addi %add3A_581, %iota3A : vector<16xi32>
            %lt3A_583 = arith.constant 10000 : i32
            %lt3A_584 = vector.broadcast %lt3A_583 : i32 to vector<16xi32>
            %lt3A_585 = arith.cmpi slt, %add3A_582, %lt3A_584 : vector<16xi32>
            %jit3A_586 = arith.constant 10000 : i32
            %broadcast_in_dim3A_587 = vector.broadcast %jit3A_586 : i32 to vector<16xi32>
            %select_n3A_588 = arith.select %lt3A_585, %add3A_582, %broadcast_in_dim3A_587 : vector<16xi1>, vector<16xi32>
            %swap3A_589 = arith.constant 80 : index
            %swap3A_590 = tpu.vector_load %arg11[%swap3A_589] {strides = array<i32>} : memref<128xi32, #tpu.memory_space<vmem>>, vector<16xi32>,
            tpu.vector_store %arg11[%swap3A_589], %select_n3A_588 {strides = array<i32>} : memref<128xi32, #tpu.memory_space<vmem>>, vector<16xi32>,
            %add3A_591 = arith.constant 224 : i32
            %add3A_592 = vector.broadcast %add3A_591 : i32 to vector<16xi32>
            %add3A_593 = arith.addi %broadcast_in_dim3A_422, %add3A_592 : vector<16xi32>
            %add3A_594 = arith.addi %add3A_593, %iota3A : vector<16xi32>
            %lt3A_595 = arith.constant 10000 : i32
            %lt3A_596 = vector.broadcast %lt3A_595 : i32 to vector<16xi32>
            %lt3A_597 = arith.cmpi slt, %add3A_594, %lt3A_596 : vector<16xi32>
            %jit3A_598 = arith.constant 10000 : i32
            %broadcast_in_dim3A_599 = vector.broadcast %jit3A_598 : i32 to vector<16xi32>
            %select_n3A_600 = arith.select %lt3A_597, %add3A_594, %broadcast_in_dim3A_599 : vector<16xi1>, vector<16xi32>
            %swap3A_601 = arith.constant 96 : index
            %swap3A_602 = tpu.vector_load %arg11[%swap3A_601] {strides = array<i32>} : memref<128xi32, #tpu.memory_space<vmem>>, vector<16xi32>,
            tpu.vector_store %arg11[%swap3A_601], %select_n3A_600 {strides = array<i32>} : memref<128xi32, #tpu.memory_space<vmem>>, vector<16xi32>,
            %add3A_603 = arith.constant 240 : i32
            %add3A_604 = vector.broadcast %add3A_603 : i32 to vector<16xi32>
            %add3A_605 = arith.addi %broadcast_in_dim3A_422, %add3A_604 : vector<16xi32>
            %add3A_606 = arith.addi %add3A_605, %iota3A : vector<16xi32>
            %lt3A_607 = arith.constant 10000 : i32
            %lt3A_608 = vector.broadcast %lt3A_607 : i32 to vector<16xi32>
            %lt3A_609 = arith.cmpi slt, %add3A_606, %lt3A_608 : vector<16xi32>
            %jit3A_610 = arith.constant 10000 : i32
            %broadcast_in_dim3A_611 = vector.broadcast %jit3A_610 : i32 to vector<16xi32>
            %select_n3A_612 = arith.select %lt3A_609, %add3A_606, %broadcast_in_dim3A_611 : vector<16xi1>, vector<16xi32>
            %swap3A_613 = arith.constant 112 : index
            %swap3A_614 = tpu.vector_load %arg11[%swap3A_613] {strides = array<i32>} : memref<128xi32, #tpu.memory_space<vmem>>, vector<16xi32>,
            tpu.vector_store %arg11[%swap3A_613], %select_n3A_612 {strides = array<i32>} : memref<128xi32, #tpu.memory_space<vmem>>, vector<16xi32>,
            "tpu.region"() ({
              %run_scoped3A = tpu.sem_alloc : memref<!tpu.dma_semaphore, #tpu.memory_space<semaphore_mem>>
              %dma_start3A = arith.constant 128 : i32
              %dma_start3A_621 = arith.constant 0 : i32
              %dma_start3A_622 = tpu.memref_slice %arg9[%dma_start3A, %dma_start3A_621] : memref<256x128xf32, #tpu.memory_space<vmem>> -> memref<128x128xf32, #tpu.memory_space<vmem>>
              %dma_start3A_623 = arith.constant 0 : i32
              %dma_start3A_624 = arith.constant 0 : i32
              %dma_start3A_625 = tpu.memref_slice %arg12[%dma_start3A_623, %dma_start3A_624] : memref<10001x128xf32, #tpu.memory_space<vmem_shared>> -> memref<10001x128xf32, #tpu.memory_space<vmem_shared>>
              tpu.enqueue_indirect_dma source(%dma_start3A_622 : memref<128x128xf32, #tpu.memory_space<vmem>>) target(%dma_start3A_625 : memref<10001x128xf32, #tpu.memory_space<vmem_shared>>) offsets(%arg11 : memref<128xi32, #tpu.memory_space<vmem>>) semaphore(%run_scoped3A : memref<!tpu.dma_semaphore, #tpu.memory_space<semaphore_mem>>) {add = true}
              %dma_wait3A = arith.constant 128 : i32
              %dma_wait3A_626 = arith.constant 0 : i32
              %dma_wait3A_627 = tpu.memref_slice %arg9[%dma_wait3A, %dma_wait3A_626] : memref<256x128xf32, #tpu.memory_space<vmem>> -> memref<128x128xf32, #tpu.memory_space<vmem>>
              %dma_wait3A_628 = arith.constant 0 : i32
              %dma_wait3A_629 = arith.constant 0 : i32
              %dma_wait3A_630 = tpu.memref_slice %arg12[%dma_wait3A_628, %dma_wait3A_629] : memref<10001x128xf32, #tpu.memory_space<vmem_shared>> -> memref<10001x128xf32, #tpu.memory_space<vmem_shared>>
              tpu.wait_indirect_dma semaphore(%run_scoped3A : memref<!tpu.dma_semaphore, #tpu.memory_space<semaphore_mem>>) src(%dma_wait3A_627 : memref<128x128xf32, #tpu.memory_space<vmem>>) dst(%dma_wait3A_630 : memref<10001x128xf32, #tpu.memory_space<vmem_shared>>)
              tpu.yield
            }) : () -> ()
            %scan3A_615 = arith.constant 0 : i32
            %scan3A_616 = arith.constant 0 : i32
            %scan3A_617 = arith.constant 256 : i32
            %scan3A_618 = arith.addi %scan3A_616, %scan3A_617 : i32
            %scan3A_619 = arith.constant 1 : i32
            scf.for %scan3A_621 = %scan3A_616 to %scan3A_618 step %scan3A_619  : i32 {
              %broadcast_in_dim3A_622 = vector.broadcast %scan3A_621 : i32 to vector<16xi32>
              %add3A_623 = arith.constant 0 : i32
              %add3A_624 = vector.broadcast %add3A_623 : i32 to vector<16xi32>
              %add3A_625 = arith.addi %iota3A, %add3A_624 : vector<16xi32>
              tpu.vector_store_idx %arg9[%broadcast_in_dim3A_622, %add3A_625], %broadcast_in_dim3A_3 : memref<256x128xf32, #tpu.memory_space<vmem>>[vector<16xi32>, vector<16xi32>], vector<16xf32>,
              %add3A_626 = arith.constant 16 : i32
              %add3A_627 = vector.broadcast %add3A_626 : i32 to vector<16xi32>
              %add3A_628 = arith.addi %iota3A, %add3A_627 : vector<16xi32>
              tpu.vector_store_idx %arg9[%broadcast_in_dim3A_622, %add3A_628], %broadcast_in_dim3A_3 : memref<256x128xf32, #tpu.memory_space<vmem>>[vector<16xi32>, vector<16xi32>], vector<16xf32>,
              %add3A_629 = arith.constant 32 : i32
              %add3A_630 = vector.broadcast %add3A_629 : i32 to vector<16xi32>
              %add3A_631 = arith.addi %iota3A, %add3A_630 : vector<16xi32>
              tpu.vector_store_idx %arg9[%broadcast_in_dim3A_622, %add3A_631], %broadcast_in_dim3A_3 : memref<256x128xf32, #tpu.memory_space<vmem>>[vector<16xi32>, vector<16xi32>], vector<16xf32>,
              %add3A_632 = arith.constant 48 : i32
              %add3A_633 = vector.broadcast %add3A_632 : i32 to vector<16xi32>
              %add3A_634 = arith.addi %iota3A, %add3A_633 : vector<16xi32>
              tpu.vector_store_idx %arg9[%broadcast_in_dim3A_622, %add3A_634], %broadcast_in_dim3A_3 : memref<256x128xf32, #tpu.memory_space<vmem>>[vector<16xi32>, vector<16xi32>], vector<16xf32>,
              %add3A_635 = arith.constant 64 : i32
              %add3A_636 = vector.broadcast %add3A_635 : i32 to vector<16xi32>
              %add3A_637 = arith.addi %iota3A, %add3A_636 : vector<16xi32>
              tpu.vector_store_idx %arg9[%broadcast_in_dim3A_622, %add3A_637], %broadcast_in_dim3A_3 : memref<256x128xf32, #tpu.memory_space<vmem>>[vector<16xi32>, vector<16xi32>], vector<16xf32>,
              %add3A_638 = arith.constant 80 : i32
              %add3A_639 = vector.broadcast %add3A_638 : i32 to vector<16xi32>
              %add3A_640 = arith.addi %iota3A, %add3A_639 : vector<16xi32>
              tpu.vector_store_idx %arg9[%broadcast_in_dim3A_622, %add3A_640], %broadcast_in_dim3A_3 : memref<256x128xf32, #tpu.memory_space<vmem>>[vector<16xi32>, vector<16xi32>], vector<16xf32>,
              %add3A_641 = arith.constant 96 : i32
              %add3A_642 = vector.broadcast %add3A_641 : i32 to vector<16xi32>
              %add3A_643 = arith.addi %iota3A, %add3A_642 : vector<16xi32>
              tpu.vector_store_idx %arg9[%broadcast_in_dim3A_622, %add3A_643], %broadcast_in_dim3A_3 : memref<256x128xf32, #tpu.memory_space<vmem>>[vector<16xi32>, vector<16xi32>], vector<16xf32>,
              %add3A_644 = arith.constant 112 : i32
              %add3A_645 = vector.broadcast %add3A_644 : i32 to vector<16xi32>
              %add3A_646 = arith.addi %iota3A, %add3A_645 : vector<16xi32>
              tpu.vector_store_idx %arg9[%broadcast_in_dim3A_622, %add3A_646], %broadcast_in_dim3A_3 : memref<256x128xf32, #tpu.memory_space<vmem>>[vector<16xi32>, vector<16xi32>], vector<16xf32>,
            }
            %scan3A_620 = arith.constant 256 : i32
          } else {
          }
          %select_n3A_350 = arith.select %and3A, %reduce_max3A_340, %scan3A_320 : i32
          %mul3A_351 = arith.constant 128 : i32
          %mul3A_352 = arith.muli %scan3A_319, %mul3A_351 : i32
          %add3A_353 = arith.constant 0 : i32
          %add3A_354 = arith.addi %mul3A_352, %add3A_353 : i32
          %get3A = arith.index_cast %add3A_354 : i32 to index
          %get3A_355 = tpu.vector_load %arg6[%get3A] {strides = array<i32>} : memref<12800xf32, #tpu.memory_space<vmem>>, vector<16xf32>,
          %mul3A_356 = arith.mulf %get3A_355, %gather3A_341 : vector<16xf32>
          %mul3A_357 = arith.constant 128 : i32
          %mul3A_358 = arith.muli %scan3A_319, %mul3A_357 : i32
          %add3A_359 = arith.constant 16 : i32
          %add3A_360 = arith.addi %mul3A_358, %add3A_359 : i32
          %get3A_361 = arith.index_cast %add3A_360 : i32 to index
          %get3A_362 = tpu.vector_load %arg6[%get3A_361] {strides = array<i32>} : memref<12800xf32, #tpu.memory_space<vmem>>, vector<16xf32>,
          %mul3A_363 = arith.mulf %get3A_362, %gather3A_341 : vector<16xf32>
          %mul3A_364 = arith.constant 128 : i32
          %mul3A_365 = arith.muli %scan3A_319, %mul3A_364 : i32
          %add3A_366 = arith.constant 32 : i32
          %add3A_367 = arith.addi %mul3A_365, %add3A_366 : i32
          %get3A_368 = arith.index_cast %add3A_367 : i32 to index
          %get3A_369 = tpu.vector_load %arg6[%get3A_368] {strides = array<i32>} : memref<12800xf32, #tpu.memory_space<vmem>>, vector<16xf32>,
          %mul3A_370 = arith.mulf %get3A_369, %gather3A_341 : vector<16xf32>
          %mul3A_371 = arith.constant 128 : i32
          %mul3A_372 = arith.muli %scan3A_319, %mul3A_371 : i32
          %add3A_373 = arith.constant 48 : i32
          %add3A_374 = arith.addi %mul3A_372, %add3A_373 : i32
          %get3A_375 = arith.index_cast %add3A_374 : i32 to index
          %get3A_376 = tpu.vector_load %arg6[%get3A_375] {strides = array<i32>} : memref<12800xf32, #tpu.memory_space<vmem>>, vector<16xf32>,
          %mul3A_377 = arith.mulf %get3A_376, %gather3A_341 : vector<16xf32>
          %mul3A_378 = arith.constant 128 : i32
          %mul3A_379 = arith.muli %scan3A_319, %mul3A_378 : i32
          %add3A_380 = arith.constant 64 : i32
          %add3A_381 = arith.addi %mul3A_379, %add3A_380 : i32
          %get3A_382 = arith.index_cast %add3A_381 : i32 to index
          %get3A_383 = tpu.vector_load %arg6[%get3A_382] {strides = array<i32>} : memref<12800xf32, #tpu.memory_space<vmem>>, vector<16xf32>,
          %mul3A_384 = arith.mulf %get3A_383, %gather3A_341 : vector<16xf32>
          %mul3A_385 = arith.constant 128 : i32
          %mul3A_386 = arith.muli %scan3A_319, %mul3A_385 : i32
          %add3A_387 = arith.constant 80 : i32
          %add3A_388 = arith.addi %mul3A_386, %add3A_387 : i32
          %get3A_389 = arith.index_cast %add3A_388 : i32 to index
          %get3A_390 = tpu.vector_load %arg6[%get3A_389] {strides = array<i32>} : memref<12800xf32, #tpu.memory_space<vmem>>, vector<16xf32>,
          %mul3A_391 = arith.mulf %get3A_390, %gather3A_341 : vector<16xf32>
          %mul3A_392 = arith.constant 128 : i32
          %mul3A_393 = arith.muli %scan3A_319, %mul3A_392 : i32
          %add3A_394 = arith.constant 96 : i32
          %add3A_395 = arith.addi %mul3A_393, %add3A_394 : i32
          %get3A_396 = arith.index_cast %add3A_395 : i32 to index
          %get3A_397 = tpu.vector_load %arg6[%get3A_396] {strides = array<i32>} : memref<12800xf32, #tpu.memory_space<vmem>>, vector<16xf32>,
          %mul3A_398 = arith.mulf %get3A_397, %gather3A_341 : vector<16xf32>
          %mul3A_399 = arith.constant 128 : i32
          %mul3A_400 = arith.muli %scan3A_319, %mul3A_399 : i32
          %add3A_401 = arith.constant 112 : i32
          %add3A_402 = arith.addi %mul3A_400, %add3A_401 : i32
          %get3A_403 = arith.index_cast %add3A_402 : i32 to index
          %get3A_404 = tpu.vector_load %arg6[%get3A_403] {strides = array<i32>} : memref<12800xf32, #tpu.memory_space<vmem>>, vector<16xf32>,
          %mul3A_405 = arith.mulf %get3A_404, %gather3A_341 : vector<16xf32>
          %add3A_406 = arith.addf %scan3A_322, %mul3A_356 : vector<16xf32>
          %select_n3A_407 = arith.select %ne3A, %mul3A_356, %add3A_406 : vector<16xf32>
          %add3A_408 = arith.addf %scan3A_323, %mul3A_363 : vector<16xf32>
          %select_n3A_409 = arith.select %ne3A, %mul3A_363, %add3A_408 : vector<16xf32>
          %add3A_410 = arith.addf %scan3A_324, %mul3A_370 : vector<16xf32>
          %select_n3A_411 = arith.select %ne3A, %mul3A_370, %add3A_410 : vector<16xf32>
          %add3A_412 = arith.addf %scan3A_325, %mul3A_377 : vector<16xf32>
          %select_n3A_413 = arith.select %ne3A, %mul3A_377, %add3A_412 : vector<16xf32>
          %add3A_414 = arith.addf %scan3A_326, %mul3A_384 : vector<16xf32>
          %select_n3A_415 = arith.select %ne3A, %mul3A_384, %add3A_414 : vector<16xf32>
          %add3A_416 = arith.addf %scan3A_327, %mul3A_391 : vector<16xf32>
          %select_n3A_417 = arith.select %ne3A, %mul3A_391, %add3A_416 : vector<16xf32>
          %add3A_418 = arith.addf %scan3A_328, %mul3A_398 : vector<16xf32>
          %select_n3A_419 = arith.select %ne3A, %mul3A_398, %add3A_418 : vector<16xf32>
          %add3A_420 = arith.addf %scan3A_329, %mul3A_405 : vector<16xf32>
          %select_n3A_421 = arith.select %ne3A, %mul3A_405, %add3A_420 : vector<16xf32>
          scf.yield %select_n3A_350, %reduce_max3A_340, %select_n3A_407, %select_n3A_409, %select_n3A_411, %select_n3A_413, %select_n3A_415, %select_n3A_417, %select_n3A_419, %select_n3A_421 : i32, i32, vector<16xf32>, vector<16xf32>, vector<16xf32>, vector<16xf32>, vector<16xf32>, vector<16xf32>, vector<16xf32>, vector<16xf32>
        }
        %scan3A_318 = arith.constant 100 : i32
        scf.yield %scan3A_317#0, %scan3A_317#1, %scan3A_317#2, %scan3A_317#3, %scan3A_317#4, %scan3A_317#5, %scan3A_317#6, %scan3A_317#7, %scan3A_317#8, %scan3A_317#9 : i32, i32, vector<16xf32>, vector<16xf32>, vector<16xf32>, vector<16xf32>, vector<16xf32>, vector<16xf32>, vector<16xf32>, vector<16xf32>
      }
      %scan3A_293 = arith.constant 10 : i32
      scf.yield %scan3A_292#0, %scan3A_292#1, %scan3A_292#2, %scan3A_292#3, %scan3A_292#4, %scan3A_292#5, %scan3A_292#6, %scan3A_292#7, %scan3A_292#8, %scan3A_292#9 : i32, i32, vector<16xf32>, vector<16xf32>, vector<16xf32>, vector<16xf32>, vector<16xf32>, vector<16xf32>, vector<16xf32>, vector<16xf32>
    }
    %scan3A_38 = arith.constant 10 : i32
    %sub3A = arith.subi %scan3A_37#1, %scan3A_37#0 : i32
    %broadcast_in_dim3A_39 = vector.broadcast %sub3A : i32 to vector<16xi32>
    %add3A_40 = arith.constant 0 : i32
    %add3A_41 = vector.broadcast %add3A_40 : i32 to vector<16xi32>
    %add3A_42 = arith.addi %iota3A, %add3A_41 : vector<16xi32>
    tpu.vector_store_idx %arg9[%broadcast_in_dim3A_39, %add3A_42], %scan3A_37#2 {add = true} : memref<256x128xf32, #tpu.memory_space<vmem>>[vector<16xi32>, vector<16xi32>], vector<16xf32>,
    %add3A_43 = arith.constant 16 : i32
    %add3A_44 = vector.broadcast %add3A_43 : i32 to vector<16xi32>
    %add3A_45 = arith.addi %iota3A, %add3A_44 : vector<16xi32>
    tpu.vector_store_idx %arg9[%broadcast_in_dim3A_39, %add3A_45], %scan3A_37#3 {add = true} : memref<256x128xf32, #tpu.memory_space<vmem>>[vector<16xi32>, vector<16xi32>], vector<16xf32>,
    %add3A_46 = arith.constant 32 : i32
    %add3A_47 = vector.broadcast %add3A_46 : i32 to vector<16xi32>
    %add3A_48 = arith.addi %iota3A, %add3A_47 : vector<16xi32>
    tpu.vector_store_idx %arg9[%broadcast_in_dim3A_39, %add3A_48], %scan3A_37#4 {add = true} : memref<256x128xf32, #tpu.memory_space<vmem>>[vector<16xi32>, vector<16xi32>], vector<16xf32>,
    %add3A_49 = arith.constant 48 : i32
    %add3A_50 = vector.broadcast %add3A_49 : i32 to vector<16xi32>
    %add3A_51 = arith.addi %iota3A, %add3A_50 : vector<16xi32>
    tpu.vector_store_idx %arg9[%broadcast_in_dim3A_39, %add3A_51], %scan3A_37#5 {add = true} : memref<256x128xf32, #tpu.memory_space<vmem>>[vector<16xi32>, vector<16xi32>], vector<16xf32>,
    %add3A_52 = arith.constant 64 : i32
    %add3A_53 = vector.broadcast %add3A_52 : i32 to vector<16xi32>
    %add3A_54 = arith.addi %iota3A, %add3A_53 : vector<16xi32>
    tpu.vector_store_idx %arg9[%broadcast_in_dim3A_39, %add3A_54], %scan3A_37#6 {add = true} : memref<256x128xf32, #tpu.memory_space<vmem>>[vector<16xi32>, vector<16xi32>], vector<16xf32>,
    %add3A_55 = arith.constant 80 : i32
    %add3A_56 = vector.broadcast %add3A_55 : i32 to vector<16xi32>
    %add3A_57 = arith.addi %iota3A, %add3A_56 : vector<16xi32>
    tpu.vector_store_idx %arg9[%broadcast_in_dim3A_39, %add3A_57], %scan3A_37#7 {add = true} : memref<256x128xf32, #tpu.memory_space<vmem>>[vector<16xi32>, vector<16xi32>], vector<16xf32>,
    %add3A_58 = arith.constant 96 : i32
    %add3A_59 = vector.broadcast %add3A_58 : i32 to vector<16xi32>
    %add3A_60 = arith.addi %iota3A, %add3A_59 : vector<16xi32>
    tpu.vector_store_idx %arg9[%broadcast_in_dim3A_39, %add3A_60], %scan3A_37#8 {add = true} : memref<256x128xf32, #tpu.memory_space<vmem>>[vector<16xi32>, vector<16xi32>], vector<16xf32>,
    %add3A_61 = arith.constant 112 : i32
    %add3A_62 = vector.broadcast %add3A_61 : i32 to vector<16xi32>
    %add3A_63 = arith.addi %iota3A, %add3A_62 : vector<16xi32>
    tpu.vector_store_idx %arg9[%broadcast_in_dim3A_39, %add3A_63], %scan3A_37#9 {add = true} : memref<256x128xf32, #tpu.memory_space<vmem>>[vector<16xi32>, vector<16xi32>], vector<16xf32>,
    %broadcast_in_dim3A_64 = vector.broadcast %scan3A_37#0 : i32 to vector<16xi32>
    %add3A_65 = arith.constant 0 : i32
    %add3A_66 = vector.broadcast %add3A_65 : i32 to vector<16xi32>
    %add3A_67 = arith.addi %broadcast_in_dim3A_64, %add3A_66 : vector<16xi32>
    %add3A_68 = arith.addi %add3A_67, %iota3A : vector<16xi32>
    %lt3A_69 = arith.constant 10000 : i32
    %lt3A_70 = vector.broadcast %lt3A_69 : i32 to vector<16xi32>
    %lt3A_71 = arith.cmpi slt, %add3A_68, %lt3A_70 : vector<16xi32>
    %jit3A = arith.constant 10000 : i32
    %broadcast_in_dim3A_72 = vector.broadcast %jit3A : i32 to vector<16xi32>
    %select_n3A = arith.select %lt3A_71, %add3A_68, %broadcast_in_dim3A_72 : vector<16xi1>, vector<16xi32>
    %swap3A = arith.constant 0 : index
    %swap3A_73 = tpu.vector_load %arg10[%swap3A] {strides = array<i32>} : memref<128xi32, #tpu.memory_space<vmem>>, vector<16xi32>,
    tpu.vector_store %arg10[%swap3A], %select_n3A {strides = array<i32>} : memref<128xi32, #tpu.memory_space<vmem>>, vector<16xi32>,
    %add3A_74 = arith.constant 16 : i32
    %add3A_75 = vector.broadcast %add3A_74 : i32 to vector<16xi32>
    %add3A_76 = arith.addi %broadcast_in_dim3A_64, %add3A_75 : vector<16xi32>
    %add3A_77 = arith.addi %add3A_76, %iota3A : vector<16xi32>
    %lt3A_78 = arith.constant 10000 : i32
    %lt3A_79 = vector.broadcast %lt3A_78 : i32 to vector<16xi32>
    %lt3A_80 = arith.cmpi slt, %add3A_77, %lt3A_79 : vector<16xi32>
    %jit3A_81 = arith.constant 10000 : i32
    %broadcast_in_dim3A_82 = vector.broadcast %jit3A_81 : i32 to vector<16xi32>
    %select_n3A_83 = arith.select %lt3A_80, %add3A_77, %broadcast_in_dim3A_82 : vector<16xi1>, vector<16xi32>
    %swap3A_84 = arith.constant 16 : index
    %swap3A_85 = tpu.vector_load %arg10[%swap3A_84] {strides = array<i32>} : memref<128xi32, #tpu.memory_space<vmem>>, vector<16xi32>,
    tpu.vector_store %arg10[%swap3A_84], %select_n3A_83 {strides = array<i32>} : memref<128xi32, #tpu.memory_space<vmem>>, vector<16xi32>,
    %add3A_86 = arith.constant 32 : i32
    %add3A_87 = vector.broadcast %add3A_86 : i32 to vector<16xi32>
    %add3A_88 = arith.addi %broadcast_in_dim3A_64, %add3A_87 : vector<16xi32>
    %add3A_89 = arith.addi %add3A_88, %iota3A : vector<16xi32>
    %lt3A_90 = arith.constant 10000 : i32
    %lt3A_91 = vector.broadcast %lt3A_90 : i32 to vector<16xi32>
    %lt3A_92 = arith.cmpi slt, %add3A_89, %lt3A_91 : vector<16xi32>
    %jit3A_93 = arith.constant 10000 : i32
    %broadcast_in_dim3A_94 = vector.broadcast %jit3A_93 : i32 to vector<16xi32>
    %select_n3A_95 = arith.select %lt3A_92, %add3A_89, %broadcast_in_dim3A_94 : vector<16xi1>, vector<16xi32>
    %swap3A_96 = arith.constant 32 : index
    %swap3A_97 = tpu.vector_load %arg10[%swap3A_96] {strides = array<i32>} : memref<128xi32, #tpu.memory_space<vmem>>, vector<16xi32>,
    tpu.vector_store %arg10[%swap3A_96], %select_n3A_95 {strides = array<i32>} : memref<128xi32, #tpu.memory_space<vmem>>, vector<16xi32>,
    %add3A_98 = arith.constant 48 : i32
    %add3A_99 = vector.broadcast %add3A_98 : i32 to vector<16xi32>
    %add3A_100 = arith.addi %broadcast_in_dim3A_64, %add3A_99 : vector<16xi32>
    %add3A_101 = arith.addi %add3A_100, %iota3A : vector<16xi32>
    %lt3A_102 = arith.constant 10000 : i32
    %lt3A_103 = vector.broadcast %lt3A_102 : i32 to vector<16xi32>
    %lt3A_104 = arith.cmpi slt, %add3A_101, %lt3A_103 : vector<16xi32>
    %jit3A_105 = arith.constant 10000 : i32
    %broadcast_in_dim3A_106 = vector.broadcast %jit3A_105 : i32 to vector<16xi32>
    %select_n3A_107 = arith.select %lt3A_104, %add3A_101, %broadcast_in_dim3A_106 : vector<16xi1>, vector<16xi32>
    %swap3A_108 = arith.constant 48 : index
    %swap3A_109 = tpu.vector_load %arg10[%swap3A_108] {strides = array<i32>} : memref<128xi32, #tpu.memory_space<vmem>>, vector<16xi32>,
    tpu.vector_store %arg10[%swap3A_108], %select_n3A_107 {strides = array<i32>} : memref<128xi32, #tpu.memory_space<vmem>>, vector<16xi32>,
    %add3A_110 = arith.constant 64 : i32
    %add3A_111 = vector.broadcast %add3A_110 : i32 to vector<16xi32>
    %add3A_112 = arith.addi %broadcast_in_dim3A_64, %add3A_111 : vector<16xi32>
    %add3A_113 = arith.addi %add3A_112, %iota3A : vector<16xi32>
    %lt3A_114 = arith.constant 10000 : i32
    %lt3A_115 = vector.broadcast %lt3A_114 : i32 to vector<16xi32>
    %lt3A_116 = arith.cmpi slt, %add3A_113, %lt3A_115 : vector<16xi32>
    %jit3A_117 = arith.constant 10000 : i32
    %broadcast_in_dim3A_118 = vector.broadcast %jit3A_117 : i32 to vector<16xi32>
    %select_n3A_119 = arith.select %lt3A_116, %add3A_113, %broadcast_in_dim3A_118 : vector<16xi1>, vector<16xi32>
    %swap3A_120 = arith.constant 64 : index
    %swap3A_121 = tpu.vector_load %arg10[%swap3A_120] {strides = array<i32>} : memref<128xi32, #tpu.memory_space<vmem>>, vector<16xi32>,
    tpu.vector_store %arg10[%swap3A_120], %select_n3A_119 {strides = array<i32>} : memref<128xi32, #tpu.memory_space<vmem>>, vector<16xi32>,
    %add3A_122 = arith.constant 80 : i32
    %add3A_123 = vector.broadcast %add3A_122 : i32 to vector<16xi32>
    %add3A_124 = arith.addi %broadcast_in_dim3A_64, %add3A_123 : vector<16xi32>
    %add3A_125 = arith.addi %add3A_124, %iota3A : vector<16xi32>
    %lt3A_126 = arith.constant 10000 : i32
    %lt3A_127 = vector.broadcast %lt3A_126 : i32 to vector<16xi32>
    %lt3A_128 = arith.cmpi slt, %add3A_125, %lt3A_127 : vector<16xi32>
    %jit3A_129 = arith.constant 10000 : i32
    %broadcast_in_dim3A_130 = vector.broadcast %jit3A_129 : i32 to vector<16xi32>
    %select_n3A_131 = arith.select %lt3A_128, %add3A_125, %broadcast_in_dim3A_130 : vector<16xi1>, vector<16xi32>
    %swap3A_132 = arith.constant 80 : index
    %swap3A_133 = tpu.vector_load %arg10[%swap3A_132] {strides = array<i32>} : memref<128xi32, #tpu.memory_space<vmem>>, vector<16xi32>,
    tpu.vector_store %arg10[%swap3A_132], %select_n3A_131 {strides = array<i32>} : memref<128xi32, #tpu.memory_space<vmem>>, vector<16xi32>,
    %add3A_134 = arith.constant 96 : i32
    %add3A_135 = vector.broadcast %add3A_134 : i32 to vector<16xi32>
    %add3A_136 = arith.addi %broadcast_in_dim3A_64, %add3A_135 : vector<16xi32>
    %add3A_137 = arith.addi %add3A_136, %iota3A : vector<16xi32>
    %lt3A_138 = arith.constant 10000 : i32
    %lt3A_139 = vector.broadcast %lt3A_138 : i32 to vector<16xi32>
    %lt3A_140 = arith.cmpi slt, %add3A_137, %lt3A_139 : vector<16xi32>
    %jit3A_141 = arith.constant 10000 : i32
    %broadcast_in_dim3A_142 = vector.broadcast %jit3A_141 : i32 to vector<16xi32>
    %select_n3A_143 = arith.select %lt3A_140, %add3A_137, %broadcast_in_dim3A_142 : vector<16xi1>, vector<16xi32>
    %swap3A_144 = arith.constant 96 : index
    %swap3A_145 = tpu.vector_load %arg10[%swap3A_144] {strides = array<i32>} : memref<128xi32, #tpu.memory_space<vmem>>, vector<16xi32>,
    tpu.vector_store %arg10[%swap3A_144], %select_n3A_143 {strides = array<i32>} : memref<128xi32, #tpu.memory_space<vmem>>, vector<16xi32>,
    %add3A_146 = arith.constant 112 : i32
    %add3A_147 = vector.broadcast %add3A_146 : i32 to vector<16xi32>
    %add3A_148 = arith.addi %broadcast_in_dim3A_64, %add3A_147 : vector<16xi32>
    %add3A_149 = arith.addi %add3A_148, %iota3A : vector<16xi32>
    %lt3A_150 = arith.constant 10000 : i32
    %lt3A_151 = vector.broadcast %lt3A_150 : i32 to vector<16xi32>
    %lt3A_152 = arith.cmpi slt, %add3A_149, %lt3A_151 : vector<16xi32>
    %jit3A_153 = arith.constant 10000 : i32
    %broadcast_in_dim3A_154 = vector.broadcast %jit3A_153 : i32 to vector<16xi32>
    %select_n3A_155 = arith.select %lt3A_152, %add3A_149, %broadcast_in_dim3A_154 : vector<16xi1>, vector<16xi32>
    %swap3A_156 = arith.constant 112 : index
    %swap3A_157 = tpu.vector_load %arg10[%swap3A_156] {strides = array<i32>} : memref<128xi32, #tpu.memory_space<vmem>>, vector<16xi32>,
    tpu.vector_store %arg10[%swap3A_156], %select_n3A_155 {strides = array<i32>} : memref<128xi32, #tpu.memory_space<vmem>>, vector<16xi32>,
    "tpu.region"() ({
      %run_scoped3A = tpu.sem_alloc : memref<!tpu.dma_semaphore, #tpu.memory_space<semaphore_mem>>
      %dma_start3A = arith.constant 0 : i32
      %dma_start3A_271 = arith.constant 0 : i32
      %dma_start3A_272 = tpu.memref_slice %arg9[%dma_start3A, %dma_start3A_271] : memref<256x128xf32, #tpu.memory_space<vmem>> -> memref<128x128xf32, #tpu.memory_space<vmem>>
      %dma_start3A_273 = arith.constant 0 : i32
      %dma_start3A_274 = arith.constant 0 : i32
      %dma_start3A_275 = tpu.memref_slice %arg12[%dma_start3A_273, %dma_start3A_274] : memref<10001x128xf32, #tpu.memory_space<vmem_shared>> -> memref<10001x128xf32, #tpu.memory_space<vmem_shared>>
      tpu.enqueue_indirect_dma source(%dma_start3A_272 : memref<128x128xf32, #tpu.memory_space<vmem>>) target(%dma_start3A_275 : memref<10001x128xf32, #tpu.memory_space<vmem_shared>>) offsets(%arg10 : memref<128xi32, #tpu.memory_space<vmem>>) semaphore(%run_scoped3A : memref<!tpu.dma_semaphore, #tpu.memory_space<semaphore_mem>>) {add = true}
      %dma_wait3A = arith.constant 0 : i32
      %dma_wait3A_276 = arith.constant 0 : i32
      %dma_wait3A_277 = tpu.memref_slice %arg9[%dma_wait3A, %dma_wait3A_276] : memref<256x128xf32, #tpu.memory_space<vmem>> -> memref<128x128xf32, #tpu.memory_space<vmem>>
      %dma_wait3A_278 = arith.constant 0 : i32
      %dma_wait3A_279 = arith.constant 0 : i32
      %dma_wait3A_280 = tpu.memref_slice %arg12[%dma_wait3A_278, %dma_wait3A_279] : memref<10001x128xf32, #tpu.memory_space<vmem_shared>> -> memref<10001x128xf32, #tpu.memory_space<vmem_shared>>
      tpu.wait_indirect_dma semaphore(%run_scoped3A : memref<!tpu.dma_semaphore, #tpu.memory_space<semaphore_mem>>) src(%dma_wait3A_277 : memref<128x128xf32, #tpu.memory_space<vmem>>) dst(%dma_wait3A_280 : memref<10001x128xf32, #tpu.memory_space<vmem_shared>>)
      tpu.yield
    }) : () -> ()
    %add3A_158 = arith.constant 128 : i32
    %add3A_159 = vector.broadcast %add3A_158 : i32 to vector<16xi32>
    %add3A_160 = arith.addi %broadcast_in_dim3A_64, %add3A_159 : vector<16xi32>
    %add3A_161 = arith.addi %add3A_160, %iota3A : vector<16xi32>
    %lt3A_162 = arith.constant 10000 : i32
    %lt3A_163 = vector.broadcast %lt3A_162 : i32 to vector<16xi32>
    %lt3A_164 = arith.cmpi slt, %add3A_161, %lt3A_163 : vector<16xi32>
    %jit3A_165 = arith.constant 10000 : i32
    %broadcast_in_dim3A_166 = vector.broadcast %jit3A_165 : i32 to vector<16xi32>
    %select_n3A_167 = arith.select %lt3A_164, %add3A_161, %broadcast_in_dim3A_166 : vector<16xi1>, vector<16xi32>
    %swap3A_168 = arith.constant 0 : index
    %swap3A_169 = tpu.vector_load %arg11[%swap3A_168] {strides = array<i32>} : memref<128xi32, #tpu.memory_space<vmem>>, vector<16xi32>,
    tpu.vector_store %arg11[%swap3A_168], %select_n3A_167 {strides = array<i32>} : memref<128xi32, #tpu.memory_space<vmem>>, vector<16xi32>,
    %add3A_170 = arith.constant 144 : i32
    %add3A_171 = vector.broadcast %add3A_170 : i32 to vector<16xi32>
    %add3A_172 = arith.addi %broadcast_in_dim3A_64, %add3A_171 : vector<16xi32>
    %add3A_173 = arith.addi %add3A_172, %iota3A : vector<16xi32>
    %lt3A_174 = arith.constant 10000 : i32
    %lt3A_175 = vector.broadcast %lt3A_174 : i32 to vector<16xi32>
    %lt3A_176 = arith.cmpi slt, %add3A_173, %lt3A_175 : vector<16xi32>
    %jit3A_177 = arith.constant 10000 : i32
    %broadcast_in_dim3A_178 = vector.broadcast %jit3A_177 : i32 to vector<16xi32>
    %select_n3A_179 = arith.select %lt3A_176, %add3A_173, %broadcast_in_dim3A_178 : vector<16xi1>, vector<16xi32>
    %swap3A_180 = arith.constant 16 : index
    %swap3A_181 = tpu.vector_load %arg11[%swap3A_180] {strides = array<i32>} : memref<128xi32, #tpu.memory_space<vmem>>, vector<16xi32>,
    tpu.vector_store %arg11[%swap3A_180], %select_n3A_179 {strides = array<i32>} : memref<128xi32, #tpu.memory_space<vmem>>, vector<16xi32>,
    %add3A_182 = arith.constant 160 : i32
    %add3A_183 = vector.broadcast %add3A_182 : i32 to vector<16xi32>
    %add3A_184 = arith.addi %broadcast_in_dim3A_64, %add3A_183 : vector<16xi32>
    %add3A_185 = arith.addi %add3A_184, %iota3A : vector<16xi32>
    %lt3A_186 = arith.constant 10000 : i32
    %lt3A_187 = vector.broadcast %lt3A_186 : i32 to vector<16xi32>
    %lt3A_188 = arith.cmpi slt, %add3A_185, %lt3A_187 : vector<16xi32>
    %jit3A_189 = arith.constant 10000 : i32
    %broadcast_in_dim3A_190 = vector.broadcast %jit3A_189 : i32 to vector<16xi32>
    %select_n3A_191 = arith.select %lt3A_188, %add3A_185, %broadcast_in_dim3A_190 : vector<16xi1>, vector<16xi32>
    %swap3A_192 = arith.constant 32 : index
    %swap3A_193 = tpu.vector_load %arg11[%swap3A_192] {strides = array<i32>} : memref<128xi32, #tpu.memory_space<vmem>>, vector<16xi32>,
    tpu.vector_store %arg11[%swap3A_192], %select_n3A_191 {strides = array<i32>} : memref<128xi32, #tpu.memory_space<vmem>>, vector<16xi32>,
    %add3A_194 = arith.constant 176 : i32
    %add3A_195 = vector.broadcast %add3A_194 : i32 to vector<16xi32>
    %add3A_196 = arith.addi %broadcast_in_dim3A_64, %add3A_195 : vector<16xi32>
    %add3A_197 = arith.addi %add3A_196, %iota3A : vector<16xi32>
    %lt3A_198 = arith.constant 10000 : i32
    %lt3A_199 = vector.broadcast %lt3A_198 : i32 to vector<16xi32>
    %lt3A_200 = arith.cmpi slt, %add3A_197, %lt3A_199 : vector<16xi32>
    %jit3A_201 = arith.constant 10000 : i32
    %broadcast_in_dim3A_202 = vector.broadcast %jit3A_201 : i32 to vector<16xi32>
    %select_n3A_203 = arith.select %lt3A_200, %add3A_197, %broadcast_in_dim3A_202 : vector<16xi1>, vector<16xi32>
    %swap3A_204 = arith.constant 48 : index
    %swap3A_205 = tpu.vector_load %arg11[%swap3A_204] {strides = array<i32>} : memref<128xi32, #tpu.memory_space<vmem>>, vector<16xi32>,
    tpu.vector_store %arg11[%swap3A_204], %select_n3A_203 {strides = array<i32>} : memref<128xi32, #tpu.memory_space<vmem>>, vector<16xi32>,
    %add3A_206 = arith.constant 192 : i32
    %add3A_207 = vector.broadcast %add3A_206 : i32 to vector<16xi32>
    %add3A_208 = arith.addi %broadcast_in_dim3A_64, %add3A_207 : vector<16xi32>
    %add3A_209 = arith.addi %add3A_208, %iota3A : vector<16xi32>
    %lt3A_210 = arith.constant 10000 : i32
    %lt3A_211 = vector.broadcast %lt3A_210 : i32 to vector<16xi32>
    %lt3A_212 = arith.cmpi slt, %add3A_209, %lt3A_211 : vector<16xi32>
    %jit3A_213 = arith.constant 10000 : i32
    %broadcast_in_dim3A_214 = vector.broadcast %jit3A_213 : i32 to vector<16xi32>
    %select_n3A_215 = arith.select %lt3A_212, %add3A_209, %broadcast_in_dim3A_214 : vector<16xi1>, vector<16xi32>
    %swap3A_216 = arith.constant 64 : index
    %swap3A_217 = tpu.vector_load %arg11[%swap3A_216] {strides = array<i32>} : memref<128xi32, #tpu.memory_space<vmem>>, vector<16xi32>,
    tpu.vector_store %arg11[%swap3A_216], %select_n3A_215 {strides = array<i32>} : memref<128xi32, #tpu.memory_space<vmem>>, vector<16xi32>,
    %add3A_218 = arith.constant 208 : i32
    %add3A_219 = vector.broadcast %add3A_218 : i32 to vector<16xi32>
    %add3A_220 = arith.addi %broadcast_in_dim3A_64, %add3A_219 : vector<16xi32>
    %add3A_221 = arith.addi %add3A_220, %iota3A : vector<16xi32>
    %lt3A_222 = arith.constant 10000 : i32
    %lt3A_223 = vector.broadcast %lt3A_222 : i32 to vector<16xi32>
    %lt3A_224 = arith.cmpi slt, %add3A_221, %lt3A_223 : vector<16xi32>
    %jit3A_225 = arith.constant 10000 : i32
    %broadcast_in_dim3A_226 = vector.broadcast %jit3A_225 : i32 to vector<16xi32>
    %select_n3A_227 = arith.select %lt3A_224, %add3A_221, %broadcast_in_dim3A_226 : vector<16xi1>, vector<16xi32>
    %swap3A_228 = arith.constant 80 : index
    %swap3A_229 = tpu.vector_load %arg11[%swap3A_228] {strides = array<i32>} : memref<128xi32, #tpu.memory_space<vmem>>, vector<16xi32>,
    tpu.vector_store %arg11[%swap3A_228], %select_n3A_227 {strides = array<i32>} : memref<128xi32, #tpu.memory_space<vmem>>, vector<16xi32>,
    %add3A_230 = arith.constant 224 : i32
    %add3A_231 = vector.broadcast %add3A_230 : i32 to vector<16xi32>
    %add3A_232 = arith.addi %broadcast_in_dim3A_64, %add3A_231 : vector<16xi32>
    %add3A_233 = arith.addi %add3A_232, %iota3A : vector<16xi32>
    %lt3A_234 = arith.constant 10000 : i32
    %lt3A_235 = vector.broadcast %lt3A_234 : i32 to vector<16xi32>
    %lt3A_236 = arith.cmpi slt, %add3A_233, %lt3A_235 : vector<16xi32>
    %jit3A_237 = arith.constant 10000 : i32
    %broadcast_in_dim3A_238 = vector.broadcast %jit3A_237 : i32 to vector<16xi32>
    %select_n3A_239 = arith.select %lt3A_236, %add3A_233, %broadcast_in_dim3A_238 : vector<16xi1>, vector<16xi32>
    %swap3A_240 = arith.constant 96 : index
    %swap3A_241 = tpu.vector_load %arg11[%swap3A_240] {strides = array<i32>} : memref<128xi32, #tpu.memory_space<vmem>>, vector<16xi32>,
    tpu.vector_store %arg11[%swap3A_240], %select_n3A_239 {strides = array<i32>} : memref<128xi32, #tpu.memory_space<vmem>>, vector<16xi32>,
    %add3A_242 = arith.constant 240 : i32
    %add3A_243 = vector.broadcast %add3A_242 : i32 to vector<16xi32>
    %add3A_244 = arith.addi %broadcast_in_dim3A_64, %add3A_243 : vector<16xi32>
    %add3A_245 = arith.addi %add3A_244, %iota3A : vector<16xi32>
    %lt3A_246 = arith.constant 10000 : i32
    %lt3A_247 = vector.broadcast %lt3A_246 : i32 to vector<16xi32>
    %lt3A_248 = arith.cmpi slt, %add3A_245, %lt3A_247 : vector<16xi32>
    %jit3A_249 = arith.constant 10000 : i32
    %broadcast_in_dim3A_250 = vector.broadcast %jit3A_249 : i32 to vector<16xi32>
    %select_n3A_251 = arith.select %lt3A_248, %add3A_245, %broadcast_in_dim3A_250 : vector<16xi1>, vector<16xi32>
    %swap3A_252 = arith.constant 112 : index
    %swap3A_253 = tpu.vector_load %arg11[%swap3A_252] {strides = array<i32>} : memref<128xi32, #tpu.memory_space<vmem>>, vector<16xi32>,
    tpu.vector_store %arg11[%swap3A_252], %select_n3A_251 {strides = array<i32>} : memref<128xi32, #tpu.memory_space<vmem>>, vector<16xi32>,
    "tpu.region"() ({
      %run_scoped3A = tpu.sem_alloc : memref<!tpu.dma_semaphore, #tpu.memory_space<semaphore_mem>>
      %dma_start3A = arith.constant 128 : i32
      %dma_start3A_271 = arith.constant 0 : i32
      %dma_start3A_272 = tpu.memref_slice %arg9[%dma_start3A, %dma_start3A_271] : memref<256x128xf32, #tpu.memory_space<vmem>> -> memref<128x128xf32, #tpu.memory_space<vmem>>
      %dma_start3A_273 = arith.constant 0 : i32
      %dma_start3A_274 = arith.constant 0 : i32
      %dma_start3A_275 = tpu.memref_slice %arg12[%dma_start3A_273, %dma_start3A_274] : memref<10001x128xf32, #tpu.memory_space<vmem_shared>> -> memref<10001x128xf32, #tpu.memory_space<vmem_shared>>
      tpu.enqueue_indirect_dma source(%dma_start3A_272 : memref<128x128xf32, #tpu.memory_space<vmem>>) target(%dma_start3A_275 : memref<10001x128xf32, #tpu.memory_space<vmem_shared>>) offsets(%arg11 : memref<128xi32, #tpu.memory_space<vmem>>) semaphore(%run_scoped3A : memref<!tpu.dma_semaphore, #tpu.memory_space<semaphore_mem>>) {add = true}
      %dma_wait3A = arith.constant 128 : i32
      %dma_wait3A_276 = arith.constant 0 : i32
      %dma_wait3A_277 = tpu.memref_slice %arg9[%dma_wait3A, %dma_wait3A_276] : memref<256x128xf32, #tpu.memory_space<vmem>> -> memref<128x128xf32, #tpu.memory_space<vmem>>
      %dma_wait3A_278 = arith.constant 0 : i32
      %dma_wait3A_279 = arith.constant 0 : i32
      %dma_wait3A_280 = tpu.memref_slice %arg12[%dma_wait3A_278, %dma_wait3A_279] : memref<10001x128xf32, #tpu.memory_space<vmem_shared>> -> memref<10001x128xf32, #tpu.memory_space<vmem_shared>>
      tpu.wait_indirect_dma semaphore(%run_scoped3A : memref<!tpu.dma_semaphore, #tpu.memory_space<semaphore_mem>>) src(%dma_wait3A_277 : memref<128x128xf32, #tpu.memory_space<vmem>>) dst(%dma_wait3A_280 : memref<10001x128xf32, #tpu.memory_space<vmem_shared>>)
      tpu.yield
    }) : () -> ()
    %scan3A_254 = arith.constant 0 : i32
    %scan3A_255 = arith.constant 0 : i32
    %scan3A_256 = arith.constant 256 : i32
    %scan3A_257 = arith.addi %scan3A_255, %scan3A_256 : i32
    %scan3A_258 = arith.constant 1 : i32
    scf.for %scan3A_271 = %scan3A_255 to %scan3A_257 step %scan3A_258  : i32 {
      %broadcast_in_dim3A_272 = vector.broadcast %scan3A_271 : i32 to vector<16xi32>
      %add3A_273 = arith.constant 0 : i32
      %add3A_274 = vector.broadcast %add3A_273 : i32 to vector<16xi32>
      %add3A_275 = arith.addi %iota3A, %add3A_274 : vector<16xi32>
      tpu.vector_store_idx %arg9[%broadcast_in_dim3A_272, %add3A_275], %broadcast_in_dim3A_3 : memref<256x128xf32, #tpu.memory_space<vmem>>[vector<16xi32>, vector<16xi32>], vector<16xf32>,
      %add3A_276 = arith.constant 16 : i32
      %add3A_277 = vector.broadcast %add3A_276 : i32 to vector<16xi32>
      %add3A_278 = arith.addi %iota3A, %add3A_277 : vector<16xi32>
      tpu.vector_store_idx %arg9[%broadcast_in_dim3A_272, %add3A_278], %broadcast_in_dim3A_3 : memref<256x128xf32, #tpu.memory_space<vmem>>[vector<16xi32>, vector<16xi32>], vector<16xf32>,
      %add3A_279 = arith.constant 32 : i32
      %add3A_280 = vector.broadcast %add3A_279 : i32 to vector<16xi32>
      %add3A_281 = arith.addi %iota3A, %add3A_280 : vector<16xi32>
      tpu.vector_store_idx %arg9[%broadcast_in_dim3A_272, %add3A_281], %broadcast_in_dim3A_3 : memref<256x128xf32, #tpu.memory_space<vmem>>[vector<16xi32>, vector<16xi32>], vector<16xf32>,
      %add3A_282 = arith.constant 48 : i32
      %add3A_283 = vector.broadcast %add3A_282 : i32 to vector<16xi32>
      %add3A_284 = arith.addi %iota3A, %add3A_283 : vector<16xi32>
      tpu.vector_store_idx %arg9[%broadcast_in_dim3A_272, %add3A_284], %broadcast_in_dim3A_3 : memref<256x128xf32, #tpu.memory_space<vmem>>[vector<16xi32>, vector<16xi32>], vector<16xf32>,
      %add3A_285 = arith.constant 64 : i32
      %add3A_286 = vector.broadcast %add3A_285 : i32 to vector<16xi32>
      %add3A_287 = arith.addi %iota3A, %add3A_286 : vector<16xi32>
      tpu.vector_store_idx %arg9[%broadcast_in_dim3A_272, %add3A_287], %broadcast_in_dim3A_3 : memref<256x128xf32, #tpu.memory_space<vmem>>[vector<16xi32>, vector<16xi32>], vector<16xf32>,
      %add3A_288 = arith.constant 80 : i32
      %add3A_289 = vector.broadcast %add3A_288 : i32 to vector<16xi32>
      %add3A_290 = arith.addi %iota3A, %add3A_289 : vector<16xi32>
      tpu.vector_store_idx %arg9[%broadcast_in_dim3A_272, %add3A_290], %broadcast_in_dim3A_3 : memref<256x128xf32, #tpu.memory_space<vmem>>[vector<16xi32>, vector<16xi32>], vector<16xf32>,
      %add3A_291 = arith.constant 96 : i32
      %add3A_292 = vector.broadcast %add3A_291 : i32 to vector<16xi32>
      %add3A_293 = arith.addi %iota3A, %add3A_292 : vector<16xi32>
      tpu.vector_store_idx %arg9[%broadcast_in_dim3A_272, %add3A_293], %broadcast_in_dim3A_3 : memref<256x128xf32, #tpu.memory_space<vmem>>[vector<16xi32>, vector<16xi32>], vector<16xf32>,
      %add3A_294 = arith.constant 112 : i32
      %add3A_295 = vector.broadcast %add3A_294 : i32 to vector<16xi32>
      %add3A_296 = arith.addi %iota3A, %add3A_295 : vector<16xi32>
      tpu.vector_store_idx %arg9[%broadcast_in_dim3A_272, %add3A_296], %broadcast_in_dim3A_3 : memref<256x128xf32, #tpu.memory_space<vmem>>[vector<16xi32>, vector<16xi32>], vector<16xf32>,
    }
    %scan3A_259 = arith.constant 256 : i32
    %barrier3A_260 = arith.constant 0 : index
    tpu.barrier barrier_id(%barrier3A_260)
    %lt3A_261 = arith.constant 15 : i32
    %lt3A_262 = arith.cmpi slt, %arg1, %lt3A_261 : i32
    %convert_element_type3A_263 = arith.extui %lt3A_262 : i1 to i32
    %cond3A_264 = arith.constant 0 : i32
    %cond3A_265 = arith.cmpi ne, %convert_element_type3A_263, %cond3A_264 : i32
    scf.if %cond3A_265 {
      %mul3A_271 = arith.constant 632 : i32
      %mul3A_272 = arith.muli %arg1, %mul3A_271 : i32
      %mul3A_273 = arith.constant 10000 : i32
      %mul3A_274 = arith.muli %arg0, %mul3A_273 : i32
      %mul3A_275 = arith.constant 632 : i32
      %mul3A_276 = arith.muli %arg1, %mul3A_275 : i32
      %add3A_277 = arith.addi %mul3A_274, %mul3A_276 : i32
      "tpu.region"() ({
        %run_scoped3A = tpu.sem_alloc : memref<!tpu.dma_semaphore, #tpu.memory_space<semaphore_mem>>
        %dma_start3A = arith.constant 0 : i32
        %dma_start3A_278 = tpu.memref_slice %arg5[%add3A_277, %dma_start3A] : memref<20000x128xf32, #tpu.memory_space<hbm>> -> memref<632x128xf32, #tpu.memory_space<hbm>>
        %dma_start3A_279 = arith.constant 0 : i32
        %dma_start3A_280 = tpu.memref_slice %arg12[%mul3A_272, %dma_start3A_279] : memref<10001x128xf32, #tpu.memory_space<vmem_shared>> -> memref<632x128xf32, #tpu.memory_space<vmem_shared>>
        tpu.enqueue_dma source(%dma_start3A_280 : memref<632x128xf32, #tpu.memory_space<vmem_shared>>) target(%dma_start3A_278 : memref<632x128xf32, #tpu.memory_space<hbm>>) target_semaphore(%run_scoped3A : memref<!tpu.dma_semaphore, #tpu.memory_space<semaphore_mem>>)
        %dma_wait3A = arith.constant 0 : i32
        %dma_wait3A_281 = tpu.memref_slice %arg5[%add3A_277, %dma_wait3A] : memref<20000x128xf32, #tpu.memory_space<hbm>> -> memref<632x128xf32, #tpu.memory_space<hbm>>
        %dma_wait3A_282 = arith.constant 0 : i32
        %dma_wait3A_283 = tpu.memref_slice %arg12[%mul3A_272, %dma_wait3A_282] : memref<10001x128xf32, #tpu.memory_space<vmem_shared>> -> memref<632x128xf32, #tpu.memory_space<vmem_shared>>
        tpu.wait_dma2 semaphore(%run_scoped3A : memref<!tpu.dma_semaphore, #tpu.memory_space<semaphore_mem>>) src(%dma_wait3A_283 : memref<632x128xf32, #tpu.memory_space<vmem_shared>>) dst(%dma_wait3A_281 : memref<632x128xf32, #tpu.memory_space<hbm>>)
        tpu.yield
      }) : () -> ()
    } else {
    }
    %eq3A_266 = arith.constant 15 : i32
    %eq3A_267 = arith.cmpi eq, %arg1, %eq3A_266 : i32
    %convert_element_type3A_268 = arith.extui %eq3A_267 : i1 to i32
    %cond3A_269 = arith.constant 0 : i32
    %cond3A_270 = arith.cmpi ne, %convert_element_type3A_268, %cond3A_269 : i32
    scf.if %cond3A_270 {
      %mul3A_271 = arith.constant 10000 : i32
      %mul3A_272 = arith.muli %arg0, %mul3A_271 : i32
      %add3A_273 = arith.constant 9480 : i32
      %add3A_274 = arith.addi %mul3A_272, %add3A_273 : i32
      "tpu.region"() ({
        %run_scoped3A = tpu.sem_alloc : memref<!tpu.dma_semaphore, #tpu.memory_space<semaphore_mem>>
        %dma_start3A = arith.constant 0 : i32
        %dma_start3A_275 = tpu.memref_slice %arg5[%add3A_274, %dma_start3A] : memref<20000x128xf32, #tpu.memory_space<hbm>> -> memref<520x128xf32, #tpu.memory_space<hbm>>
        %dma_start3A_276 = arith.constant 9480 : i32
        %dma_start3A_277 = arith.constant 0 : i32
        %dma_start3A_278 = tpu.memref_slice %arg12[%dma_start3A_276, %dma_start3A_277] : memref<10001x128xf32, #tpu.memory_space<vmem_shared>> -> memref<520x128xf32, #tpu.memory_space<vmem_shared>>
        tpu.enqueue_dma source(%dma_start3A_278 : memref<520x128xf32, #tpu.memory_space<vmem_shared>>) target(%dma_start3A_275 : memref<520x128xf32, #tpu.memory_space<hbm>>) target_semaphore(%run_scoped3A : memref<!tpu.dma_semaphore, #tpu.memory_space<semaphore_mem>>)
        %dma_wait3A = arith.constant 0 : i32
        %dma_wait3A_279 = tpu.memref_slice %arg5[%add3A_274, %dma_wait3A] : memref<20000x128xf32, #tpu.memory_space<hbm>> -> memref<520x128xf32, #tpu.memory_space<hbm>>
        %dma_wait3A_280 = arith.constant 9480 : i32
        %dma_wait3A_281 = arith.constant 0 : i32
        %dma_wait3A_282 = tpu.memref_slice %arg12[%dma_wait3A_280, %dma_wait3A_281] : memref<10001x128xf32, #tpu.memory_space<vmem_shared>> -> memref<520x128xf32, #tpu.memory_space<vmem_shared>>
        tpu.wait_dma2 semaphore(%run_scoped3A : memref<!tpu.dma_semaphore, #tpu.memory_space<semaphore_mem>>) src(%dma_wait3A_282 : memref<520x128xf32, #tpu.memory_space<vmem_shared>>) dst(%dma_wait3A_279 : memref<520x128xf32, #tpu.memory_space<hbm>>)
        tpu.yield
      }) : () -> ()
    } else {
    }
    return
  }
}

#map = affine_map<(d0, d1) -> (0)>
module attributes {stable_mosaic.version = 14 : i64} {
  func.func @_sc_denom_partials(%arg0: i32, %arg1: i32, %arg2: memref<320000xf32, #tpu.memory_space<hbm>>, %arg3: memref<320000xi32, #tpu.memory_space<hbm>>, %arg4: memref<320000xf32, #tpu.memory_space<hbm>>, %arg5: memref<10000xf32, #tpu.memory_space<vmem>>, %arg6: memref<10000xi32, #tpu.memory_space<vmem>>, %arg7: memref<10016xf32, #tpu.memory_space<vmem>>) attributes {dimension_semantics = [#tpu.dimension_semantics<core_parallel>, #tpu.dimension_semantics<subcore_parallel>], iteration_bounds = array<i64: 2, 16>, scalar_prefetch = 0 : i64, scratch_operands = 3 : i64, tpu.core_type = #tpu.core_type<sc_vector_subcore>, window_params = [{transform_indices = #map}, {transform_indices = #map}, {transform_indices = #map}]} {
    %mul3A = arith.constant 2 : i32
    %mul3A_0 = arith.muli %arg1, %mul3A : i32
    %add3A = arith.addi %mul3A_0, %arg0 : i32
    %mul3A_1 = arith.constant 10000 : i32
    %mul3A_2 = arith.muli %add3A, %mul3A_1 : i32
    "tpu.region"() ({
      %run_scoped3A = tpu.sem_alloc : memref<!tpu.dma_semaphore, #tpu.memory_space<semaphore_mem>>
      %dma_start3A = tpu.memref_slice %arg2[%mul3A_2] : memref<320000xf32, #tpu.memory_space<hbm>> -> memref<10000xf32, #tpu.memory_space<hbm>>
      %dma_start3A_16 = tpu.memref_slice %arg2[%mul3A_2] : memref<320000xf32, #tpu.memory_space<hbm>> -> memref<10000xf32, #tpu.memory_space<hbm>>
      tpu.enqueue_dma source(%dma_start3A_16 : memref<10000xf32, #tpu.memory_space<hbm>>) target(%arg5 : memref<10000xf32, #tpu.memory_space<vmem>>) target_semaphore(%run_scoped3A : memref<!tpu.dma_semaphore, #tpu.memory_space<semaphore_mem>>)
      %dma_wait3A = tpu.memref_slice %arg2[%mul3A_2] : memref<320000xf32, #tpu.memory_space<hbm>> -> memref<10000xf32, #tpu.memory_space<hbm>>
      %dma_wait3A_17 = tpu.memref_slice %arg2[%mul3A_2] : memref<320000xf32, #tpu.memory_space<hbm>> -> memref<10000xf32, #tpu.memory_space<hbm>>
      tpu.wait_dma2 semaphore(%run_scoped3A : memref<!tpu.dma_semaphore, #tpu.memory_space<semaphore_mem>>) src(%dma_wait3A_17 : memref<10000xf32, #tpu.memory_space<hbm>>) dst(%arg5 : memref<10000xf32, #tpu.memory_space<vmem>>)
      tpu.yield
    }) : () -> ()
    "tpu.region"() ({
      %run_scoped3A = tpu.sem_alloc : memref<!tpu.dma_semaphore, #tpu.memory_space<semaphore_mem>>
      %dma_start3A = tpu.memref_slice %arg3[%mul3A_2] : memref<320000xi32, #tpu.memory_space<hbm>> -> memref<10000xi32, #tpu.memory_space<hbm>>
      %dma_start3A_16 = tpu.memref_slice %arg3[%mul3A_2] : memref<320000xi32, #tpu.memory_space<hbm>> -> memref<10000xi32, #tpu.memory_space<hbm>>
      tpu.enqueue_dma source(%dma_start3A_16 : memref<10000xi32, #tpu.memory_space<hbm>>) target(%arg6 : memref<10000xi32, #tpu.memory_space<vmem>>) target_semaphore(%run_scoped3A : memref<!tpu.dma_semaphore, #tpu.memory_space<semaphore_mem>>)
      %dma_wait3A = tpu.memref_slice %arg3[%mul3A_2] : memref<320000xi32, #tpu.memory_space<hbm>> -> memref<10000xi32, #tpu.memory_space<hbm>>
      %dma_wait3A_17 = tpu.memref_slice %arg3[%mul3A_2] : memref<320000xi32, #tpu.memory_space<hbm>> -> memref<10000xi32, #tpu.memory_space<hbm>>
      tpu.wait_dma2 semaphore(%run_scoped3A : memref<!tpu.dma_semaphore, #tpu.memory_space<semaphore_mem>>) src(%dma_wait3A_17 : memref<10000xi32, #tpu.memory_space<hbm>>) dst(%arg6 : memref<10000xi32, #tpu.memory_space<vmem>>)
      tpu.yield
    }) : () -> ()
    %scan3A = arith.constant 0 : i32
    %scan3A_3 = arith.constant 0 : i32
    %scan3A_4 = arith.constant 626 : i32
    %scan3A_5 = arith.addi %scan3A_3, %scan3A_4 : i32
    %scan3A_6 = arith.constant 1 : i32
    scf.for %scan3A_16 = %scan3A_3 to %scan3A_5 step %scan3A_6  : i32 {
      %broadcast_in_dim3A = arith.constant 0.000000e+00 : f32
      %broadcast_in_dim3A_17 = vector.broadcast %broadcast_in_dim3A : f32 to vector<16xf32>
      %mul3A_18 = arith.constant 16 : i32
      %mul3A_19 = arith.muli %scan3A_16, %mul3A_18 : i32
      %swap3A = arith.index_cast %mul3A_19 : i32 to index
      %swap3A_20 = tpu.vector_load %arg7[%swap3A] {strides = array<i32>} : memref<10016xf32, #tpu.memory_space<vmem>>, vector<16xf32>,
      tpu.vector_store %arg7[%swap3A], %broadcast_in_dim3A_17 {strides = array<i32>} : memref<10016xf32, #tpu.memory_space<vmem>>, vector<16xf32>,
    }
    %scan3A_7 = arith.constant 626 : i32
    %scan3A_8 = arith.constant 0 : i32
    %scan3A_9 = arith.constant 0 : i32
    %scan3A_10 = arith.constant 625 : i32
    %scan3A_11 = arith.addi %scan3A_9, %scan3A_10 : i32
    %scan3A_12 = arith.constant 1 : i32
    scf.for %scan3A_16 = %scan3A_9 to %scan3A_11 step %scan3A_12  : i32 {
      %mul3A_17 = arith.constant 16 : i32
      %mul3A_18 = arith.muli %scan3A_16, %mul3A_17 : i32
      %get3A = arith.index_cast %mul3A_18 : i32 to index
      %get3A_19 = tpu.vector_load %arg6[%get3A] {strides = array<i32>} : memref<10000xi32, #tpu.memory_space<vmem>>, vector<16xi32>,
      %get3A_20 = arith.index_cast %mul3A_18 : i32 to index
      %get3A_21 = tpu.vector_load %arg5[%get3A_20] {strides = array<i32>} : memref<10000xf32, #tpu.memory_space<vmem>>, vector<16xf32>,
      tpu.vector_store_idx %arg7[%get3A_19], %get3A_21 {add = true} : memref<10016xf32, #tpu.memory_space<vmem>>[vector<16xi32>], vector<16xf32>,
    }
    %scan3A_13 = arith.constant 625 : i32
    %mul3A_14 = arith.constant 10000 : i32
    %mul3A_15 = arith.muli %add3A, %mul3A_14 : i32
    "tpu.region"() ({
      %run_scoped3A = tpu.sem_alloc : memref<!tpu.dma_semaphore, #tpu.memory_space<semaphore_mem>>
      %dma_start3A = arith.constant 0 : i32
      %dma_start3A_16 = tpu.memref_slice %arg7[%dma_start3A] : memref<10016xf32, #tpu.memory_space<vmem>> -> memref<10000xf32, #tpu.memory_space<vmem>>
      %dma_start3A_17 = tpu.memref_slice %arg4[%mul3A_15] : memref<320000xf32, #tpu.memory_space<hbm>> -> memref<10000xf32, #tpu.memory_space<hbm>>
      %dma_start3A_18 = tpu.memref_slice %arg4[%mul3A_15] : memref<320000xf32, #tpu.memory_space<hbm>> -> memref<10000xf32, #tpu.memory_space<hbm>>
      %dma_start3A_19 = arith.constant 0 : i32
      %dma_start3A_20 = tpu.memref_slice %arg7[%dma_start3A_19] : memref<10016xf32, #tpu.memory_space<vmem>> -> memref<10000xf32, #tpu.memory_space<vmem>>
      tpu.enqueue_dma source(%dma_start3A_20 : memref<10000xf32, #tpu.memory_space<vmem>>) target(%dma_start3A_18 : memref<10000xf32, #tpu.memory_space<hbm>>) target_semaphore(%run_scoped3A : memref<!tpu.dma_semaphore, #tpu.memory_space<semaphore_mem>>)
      %dma_wait3A = arith.constant 0 : i32
      %dma_wait3A_21 = tpu.memref_slice %arg7[%dma_wait3A] : memref<10016xf32, #tpu.memory_space<vmem>> -> memref<10000xf32, #tpu.memory_space<vmem>>
      %dma_wait3A_22 = tpu.memref_slice %arg4[%mul3A_15] : memref<320000xf32, #tpu.memory_space<hbm>> -> memref<10000xf32, #tpu.memory_space<hbm>>
      %dma_wait3A_23 = tpu.memref_slice %arg4[%mul3A_15] : memref<320000xf32, #tpu.memory_space<hbm>> -> memref<10000xf32, #tpu.memory_space<hbm>>
      %dma_wait3A_24 = arith.constant 0 : i32
      %dma_wait3A_25 = tpu.memref_slice %arg7[%dma_wait3A_24] : memref<10016xf32, #tpu.memory_space<vmem>> -> memref<10000xf32, #tpu.memory_space<vmem>>
      tpu.wait_dma2 semaphore(%run_scoped3A : memref<!tpu.dma_semaphore, #tpu.memory_space<semaphore_mem>>) src(%dma_wait3A_25 : memref<10000xf32, #tpu.memory_space<vmem>>) dst(%dma_wait3A_23 : memref<10000xf32, #tpu.memory_space<hbm>>)
      tpu.yield
    }) : () -> ()
    return
  }
}

module attributes {stable_mosaic.version = 14 : i64} {
  func.func @_e_kernel(%arg0: i32, %arg1: memref<2560x128xf32, #tpu.memory_space<vmem>>, %arg2: memref<2560x1xi32, #tpu.memory_space<vmem>>, %arg3: memref<128x128xf32, #tpu.memory_space<vmem>>, %arg4: memref<128x1xf32, #tpu.memory_space<vmem>>, %arg5: memref<1x128xf32, #tpu.memory_space<vmem>>, %arg6: memref<1x1xf32, #tpu.memory_space<vmem>>, %arg7: memref<2560x1xf32, #tpu.memory_space<vmem>>) attributes {dimension_semantics = [#tpu.dimension_semantics<arbitrary>], iteration_bounds = array<i64: 125>, scalar_prefetch = 0 : i64, scratch_operands = 0 : i64, tpu.core_type = #tpu.core_type<tc>, window_params = [{transform_indices = @transform_0, window_bounds = array<i64: 2560, 128>}, {transform_indices = @transform_1, window_bounds = array<i64: 2560, 1>}, {pipeline_mode = #tpu.pipeline_mode<synchronous>, transform_indices = @transform_2, window_bounds = array<i64: 128, 128>}, {pipeline_mode = #tpu.pipeline_mode<synchronous>, transform_indices = @transform_3, window_bounds = array<i64: 128, 1>}, {pipeline_mode = #tpu.pipeline_mode<synchronous>, transform_indices = @transform_4, window_bounds = array<i64: 1, 128>}, {pipeline_mode = #tpu.pipeline_mode<synchronous>, transform_indices = @transform_5, window_bounds = array<i64: 1, 1>}, {transform_indices = @transform_6, window_bounds = array<i64: 2560, 1>}]} {
    %get3A = arith.constant 0 : index
    %get3A_0 = arith.constant 0 : index
    %get3A_1 = vector.load %arg1[%get3A, %get3A_0] : memref<2560x128xf32, #tpu.memory_space<vmem>>, vector<2560x128xf32>
    %get3A_2 = arith.constant 0 : index
    %get3A_3 = arith.constant 0 : index
    %get3A_4 = vector.load %arg3[%get3A_2, %get3A_3] : memref<128x128xf32, #tpu.memory_space<vmem>>, vector<128x128xf32>
    %dot_general3A = arith.constant dense<0.000000e+00> : vector<2560x128xf32>
    %dot_general3A_5 = tpu.matmul %get3A_1, %get3A_4, %dot_general3A {dimension_numbers = #tpu.dot_dimension_numbers<[1], [0], [0], [1], [0, 0, 1, 1], [], []>, transpose_lhs_hint = false} : vector<2560x128xf32>, vector<128x128xf32>, vector<2560x128xf32> -> vector<2560x128xf32>
    %get3A_6 = arith.constant 0 : index
    %get3A_7 = arith.constant 0 : index
    %get3A_8 = vector.load %arg5[%get3A_6, %get3A_7] : memref<1x128xf32, #tpu.memory_space<vmem>>, vector<1x128xf32>
    %add3A = vector.broadcast %get3A_8 : vector<1x128xf32> to vector<2560x128xf32>
    %add3A_9 = arith.addf %dot_general3A_5, %add3A : vector<2560x128xf32>
    %tanh3A = math.tanh %add3A_9 : vector<2560x128xf32>
    %get3A_10 = arith.constant 0 : index
    %get3A_11 = arith.constant 0 : index
    %get3A_12 = vector.load %arg4[%get3A_10, %get3A_11] : memref<128x1xf32, #tpu.memory_space<vmem>>, vector<128x1xf32>
    %dot_general3A_13 = arith.constant dense<0.000000e+00> : vector<2560x1xf32>
    %dot_general3A_14 = tpu.matmul %tanh3A, %get3A_12, %dot_general3A_13 {dimension_numbers = #tpu.dot_dimension_numbers<[1], [0], [0], [1], [0, 0, 1, 1], [], []>, transpose_lhs_hint = false} : vector<2560x128xf32>, vector<128x1xf32>, vector<2560x1xf32> -> vector<2560x1xf32>
    %mul3A = arith.constant 0.0883883461 : f32
    %mul3A_15 = vector.broadcast %mul3A : f32 to vector<2560x1xf32>
    %mul3A_16 = arith.mulf %dot_general3A_14, %mul3A_15 : vector<2560x1xf32>
    %get3A_17 = arith.constant 0 : index
    %get3A_18 = arith.constant 0 : index
    %get3A_19 = vector.load %arg2[%get3A_17, %get3A_18] : memref<2560x1xi32, #tpu.memory_space<vmem>>, vector<2560x1xi32>
    %eq3A = arith.constant 0 : i32
    %eq3A_20 = vector.broadcast %eq3A : i32 to vector<2560x1xi32>
    %eq3A_21 = arith.cmpi eq, %get3A_19, %eq3A_20 : vector<2560x1xi32>
    %get3A_22 = arith.constant 0 : index
    %get3A_23 = arith.constant 0 : index
    %get3A_24 = vector.load %arg6[%get3A_22, %get3A_23] : memref<1x1xf32, #tpu.memory_space<vmem>>, vector<1x1xf32>
    %broadcast_in_dim3A = vector.shape_cast %get3A_24 : vector<1x1xf32> to vector<1x1xf32>
    %broadcast_in_dim3A_25 = vector.broadcast %broadcast_in_dim3A : vector<1x1xf32> to vector<2560x1xf32>
    %select_n3A = arith.select %eq3A_21, %broadcast_in_dim3A_25, %mul3A_16 : vector<2560x1xi1>, vector<2560x1xf32>
    %exp3A = math.exp %select_n3A : vector<2560x1xf32>
    %swap3A = arith.constant 0 : index
    %swap3A_26 = arith.constant 0 : index
    %swap3A_27 = vector.load %arg7[%swap3A, %swap3A_26] : memref<2560x1xf32, #tpu.memory_space<vmem>>, vector<2560x1xf32>
    tpu.vector_store %arg7[%swap3A, %swap3A_26], %exp3A {strides = array<i32>} : memref<2560x1xf32, #tpu.memory_space<vmem>>, vector<2560x1xf32>,
    return
  }
  func.func @transform_0(%arg0: i32) -> (i32, i32) {
    %c0_i32 = arith.constant 0 : i32
    %c0_i32_0 = arith.constant 0 : i32
    return %arg0, %c0_i32 : i32, i32
  }
  func.func @transform_1(%arg0: i32) -> (i32, i32) {
    %c0_i32 = arith.constant 0 : i32
    %c0_i32_0 = arith.constant 0 : i32
    return %arg0, %c0_i32 : i32, i32
  }
  func.func @transform_2(%arg0: i32) -> (i32, i32) {
    %c0_i32 = arith.constant 0 : i32
    %c0_i32_0 = arith.constant 0 : i32
    %c0_i32_1 = arith.constant 0 : i32
    return %c0_i32, %c0_i32_0 : i32, i32
  }
  func.func @transform_3(%arg0: i32) -> (i32, i32) {
    %c0_i32 = arith.constant 0 : i32
    %c0_i32_0 = arith.constant 0 : i32
    %c0_i32_1 = arith.constant 0 : i32
    return %c0_i32, %c0_i32_0 : i32, i32
  }
  func.func @transform_4(%arg0: i32) -> (i32, i32) {
    %c0_i32 = arith.constant 0 : i32
    %c0_i32_0 = arith.constant 0 : i32
    %c0_i32_1 = arith.constant 0 : i32
    return %c0_i32, %c0_i32_0 : i32, i32
  }
  func.func @transform_5(%arg0: i32) -> (i32, i32) {
    %c0_i32 = arith.constant 0 : i32
    %c0_i32_0 = arith.constant 0 : i32
    %c0_i32_1 = arith.constant 0 : i32
    return %c0_i32, %c0_i32_0 : i32, i32
  }
  func.func @transform_6(%arg0: i32) -> (i32, i32) {
    %c0_i32 = arith.constant 0 : i32
    %c0_i32_0 = arith.constant 0 : i32
    return %arg0, %c0_i32 : i32, i32
  }
}

module attributes {stable_mosaic.version = 14 : i64} {
  func.func @_tc3_kernel(%arg0: i32, %arg1: memref<2x2000x128xf32, #tpu.memory_space<vmem>>, %arg2: memref<2000x1xf32, #tpu.memory_space<vmem>>, %arg3: memref<2000x128xf32, #tpu.memory_space<vmem>>) attributes {dimension_semantics = [#tpu.dimension_semantics<arbitrary>], iteration_bounds = array<i64: 5>, scalar_prefetch = 0 : i64, scratch_operands = 0 : i64, tpu.core_type = #tpu.core_type<tc>, window_params = [{transform_indices = @transform_0, window_bounds = array<i64: 2, 2000, 128>}, {transform_indices = @transform_1, window_bounds = array<i64: 2000, 1>}, {transform_indices = @transform_2, window_bounds = array<i64: 2000, 128>}]} {
    %get3A = arith.constant 0 : index
    %get3A_0 = arith.constant 0 : index
    %get3A_1 = arith.constant 0 : index
    %get3A_2 = vector.load %arg1[%get3A, %get3A_0, %get3A_1] : memref<2x2000x128xf32, #tpu.memory_space<vmem>>, vector<1x2000x128xf32>
    %get3A_3 = vector.shape_cast %get3A_2 : vector<1x2000x128xf32> to vector<2000x128xf32>
    %get3A_4 = arith.constant 1 : index
    %get3A_5 = arith.constant 0 : index
    %get3A_6 = arith.constant 0 : index
    %get3A_7 = vector.load %arg1[%get3A_4, %get3A_5, %get3A_6] : memref<2x2000x128xf32, #tpu.memory_space<vmem>>, vector<1x2000x128xf32>
    %get3A_8 = vector.shape_cast %get3A_7 : vector<1x2000x128xf32> to vector<2000x128xf32>
    %add3A = arith.addf %get3A_3, %get3A_8 : vector<2000x128xf32>
    %get3A_9 = arith.constant 0 : index
    %get3A_10 = arith.constant 0 : index
    %get3A_11 = vector.load %arg2[%get3A_9, %get3A_10] : memref<2000x1xf32, #tpu.memory_space<vmem>>, vector<2000x1xf32>
    %max3A = arith.constant 1.000000e-30 : f32
    %max3A_12 = vector.broadcast %max3A : f32 to vector<2000x1xf32>
    %max3A_13 = arith.maximumf %get3A_11, %max3A_12 : vector<2000x1xf32>
    %div3A = vector.broadcast %max3A_13 : vector<2000x1xf32> to vector<2000x128xf32>
    %div3A_14 = arith.divf %add3A, %div3A : vector<2000x128xf32>
    %swap3A = arith.constant 0 : index
    %swap3A_15 = arith.constant 0 : index
    %swap3A_16 = vector.load %arg3[%swap3A, %swap3A_15] : memref<2000x128xf32, #tpu.memory_space<vmem>>, vector<2000x128xf32>
    tpu.vector_store %arg3[%swap3A, %swap3A_15], %div3A_14 {strides = array<i32>} : memref<2000x128xf32, #tpu.memory_space<vmem>>, vector<2000x128xf32>,
    return
  }
  func.func @transform_0(%arg0: i32) -> (i32, i32, i32) {
    %c0_i32 = arith.constant 0 : i32
    %c0_i32_0 = arith.constant 0 : i32
    %c0_i32_1 = arith.constant 0 : i32
    return %c0_i32, %arg0, %c0_i32_0 : i32, i32, i32
  }
  func.func @transform_1(%arg0: i32) -> (i32, i32) {
    %c0_i32 = arith.constant 0 : i32
    %c0_i32_0 = arith.constant 0 : i32
    return %arg0, %c0_i32 : i32, i32
  }
  func.func @transform_2(%arg0: i32) -> (i32, i32) {
    %c0_i32 = arith.constant 0 : i32
    %c0_i32_0 = arith.constant 0 : i32
    return %arg0, %c0_i32 : i32, i32
  }
}

</mosaic_0001>

<sc_bundles>
// kernel: kernel.10.cloned.1.call-start
scs
__scs_entry_jumppad:
0x0: {  	(pc) =	sbr.rel $0x88, $3  }
0x1: {  	(tag) =	ssettag $0x0;
	lr =	simm.s32 $0x1  }
0x2: {  	[smem:$0x3F9B] =	sst lr;
	_ =	strace $0xD0000000  }
0x3: {  	_ = 	snop  }
0x4: {  	_ = 	snop  }
0x5: {  	_ = 	snop  }
0x6: {  	_ = 	snop  }
0x7: {  	_ = 	snop  }
__scs_overlays_trampoline_lowered:
0x8: {  	[smem:$0x3FAA] =	sst s0  }
0x9: {  	[smem:$0x3FAB] =	sst s1  }
0xa: {  	[smem:$0x3FAC] =	sst s2  }
0xb: {  	[smem:$0x3FAD] =	sst s3  }
0xc: {  	[smem:$0x3FAE] =	sst s4  }
0xd: {  	[smem:$0x3FAF] =	sst s5  }
0xe: {  	[smem:$0x3FB0] =	sst s6  }
0xf: {  	[smem:$0x3FB1] =	sst s7  }
0x10: {  	[smem:$0x3FB2] =	sst s8  }
0x11: {  	[smem:$0x3FB3] =	sst s9;
	s0 =	simm.s32 @!p0 $0x0  }
0x12: {  	s1 =	sld [smem:$0x3F99];
	s0 =	simm.s32 @p0 $0x1  }
0x13: {  	[smem:$0x3FB4] =	sst s0;
	s0 =	simm.s32 @!p1 $0x0  }
0x14: {  	s2 =	sld [smem:$0x3F98];
	s0 =	simm.s32 @p1 $0x1  }
0x15: {  	[smem:$0x3FB5] =	sst s0;
	s0 =	simm.s32 @!p2 $0x0  }
0x16: {  	s3 =	sld [smem:$0x3FDB];
	s0 =	simm.s32 @p2 $0x1  }
0x17: {  	s4 =	simm.s32 $0x1BF5;
	[smem:$0x3FB7] =	sst s0  }
0x18: {  	s0 =	sld [smem:$0x3F9A];
	_ =	swait.ge [sflag:s4], $0x0  }
0x19: {  	s7 =	sld [smem:$0x3F9B]  }
0x1a: {  	s8 =	sadd.s32 $0xFFFFE003, lr  }
0x1b: {  	s9 =	sadd.s32 $0xFFFFFEF7, lr;
	s5 =	simm.s32 $0xFFFFFFFF;
	p2 =	slt.u32 s8, $0xFFFFF086  }
0x1c: {  	p1 =	slt.u32 s9, $0xF7A;
	s5 =	simm.s32 @!p2 $0x0  }
0x1d: {  	s5 =	simm.s32 @p1 $0x1;
	p0 =	seq.s32 s7, s2  }
0x1e: {  	s7 =	smul.u32 @!p0 $0xF7A, s2;
	p2 =	seq.s32 @!p0 s5, $0x0  }
0x1f: {  	s9 =	smul.u32 $0xF7A, s1;
	s8 =	simm.s32 @!p0 $0x1BF5;
	p2 =	por !p2, p0  }
0x20: {  	[sflag:s8] =	ssyncset.s32 @!p0 $0xFFFFF086;
	s6 =	sadd.s32 @!p0 s3, s7;
	s7 =	simm.s32 @!p0 $0x108  }
0x21: {  	s3 =	sadd.s32 s3, s9;
	s6 =	sadd.s32 @!p0 $0x88, s6;
	s7 =	simm.s32 @p2 $0x1082  }
0x22: {  	[simem:s7], [sflag:s8] =	dma.local @!p0 [hbm:s6], $0xF7A  }
0x23: {  	s9 =	sor.u32 $0xD0000000, s2;
	s6 =	simm.s32 $0x108;
	_ =	swait.ge @!p0 [sflag:s8], $0x0  }
0x24: {  	s3 =	sadd.s32 $0x88, s3;
	s6 =	simm.s32 @!p1 $0x1082;
	[sflag:s4] =	ssyncset.s32 $0xFFFFF086  }
0x25: {  	[simem:s6], [sflag:s4] =	dma.local [hbm:s3], $0xF7A  }
0x26: {  	[smem:$0x3F9B] =	sst s1;
	(tag) =	ssettag s2;
	_ =	strace s9  }
0x27: {  	s1 =	sld [smem:$0x3FAB]  }
0x28: {  	s2 =	sld [smem:$0x3FAC]  }
0x29: {  	s4 =	sld [smem:$0x3FAE]  }
0x2a: {  	p0 =	seq.s32 s5, $0x0;
	s5 =	sld [smem:$0x3FAF]  }
0x2b: {  	s6 =	sld [smem:$0x3FB0]  }
0x2c: {  	s7 =	sld [smem:$0x3FB1]  }
0x2d: {  	s3 =	simm.s32 $0x108;
	s8 =	sld [smem:$0x3FB2]  }
0x2e: {  	s3 =	simm.s32 @!p0 $0x1082;
	s9 =	sld [smem:$0x3FB3]  }
0x2f: {  	lr =	sadd.s32 s0, s3;
	s0 =	sld [smem:$0x3FAA]  }
0x30: {  	s3 =	sld [smem:$0x3FAD]  }
0x31: {  	[smem:$0x3FB6] =	sst s10  }
0x32: {  	s10 =	sld [smem:$0x3FB4];
	_ =	sdelay $0x3  }
0x33: {  	p0 =	seq.s32 s10, $0x1;
	s10 =	sld [smem:$0x3FB6];
	_ =	sdelay $0x3  }
0x34: {  	[smem:$0x3FB6] =	sst s10  }
0x35: {  	s10 =	sld [smem:$0x3FB5];
	_ =	sdelay $0x3  }
0x36: {  	p1 =	seq.s32 s10, $0x1;
	s10 =	sld [smem:$0x3FB6];
	_ =	sdelay $0x3  }
0x37: {  	[smem:$0x3FB6] =	sst s10  }
0x38: {  	s10 =	sld [smem:$0x3FB7]  }
0x39: {  	_ = 	snop;
	(pc) =	sbr.ind lr, $3  }
0x3a: {  	_ = 	snop  }
0x3b: {  	_ = 	snop  }
0x3c: {  	p2 =	seq.s32 s10, $0x1;
	s10 =	sld [smem:$0x3FB6]  }
0x3d: {  	_ =	shalt  }
0x3e: {  	_ =	shalt  }
0x3f: {  	_ =	shalt  }
0x40: {  	_ =	shalt  }
0x41: {  	_ =	shalt  }
0x42: {  	_ =	shalt  }
0x43: {  	_ =	shalt  }
0x44: {  	_ =	shalt  }
0x45: {  	_ =	shalt  }
0x46: {  	_ =	shalt  }
0x47: {  	_ =	shalt  }
0x48: {  	_ =	shalt  }
0x49: {  	_ =	shalt  }
0x4a: {  	_ =	shalt  }
0x4b: {  	_ =	shalt  }
0x4c: {  	_ =	shalt  }
0x4d: {  	_ =	shalt  }
0x4e: {  	_ =	shalt  }
0x4f: {  	_ =	shalt  }
0x50: {  	_ =	shalt  }
0x51: {  	_ =	shalt  }
0x52: {  	_ =	shalt  }
0x53: {  	_ =	shalt  }
0x54: {  	_ =	shalt  }
0x55: {  	_ =	shalt  }
0x56: {  	_ =	shalt  }
0x57: {  	_ =	shalt  }
0x58: {  	_ =	shalt  }
0x59: {  	_ =	shalt  }
0x5a: {  	_ =	shalt  }
0x5b: {  	_ =	shalt  }
0x5c: {  	_ =	shalt  }
0x5d: {  	_ =	shalt  }
0x5e: {  	_ =	shalt  }
0x5f: {  	_ =	shalt  }
0x60: {  	_ =	shalt  }
0x61: {  	_ =	shalt  }
0x62: {  	_ =	shalt  }
0x63: {  	_ =	shalt  }
0x64: {  	_ =	shalt  }
0x65: {  	_ =	shalt  }
0x66: {  	_ =	shalt  }
0x67: {  	_ =	shalt  }
0x68: {  	_ =	shalt  }
0x69: {  	_ =	shalt  }
0x6a: {  	_ =	shalt  }
0x6b: {  	_ =	shalt  }
0x6c: {  	_ =	shalt  }
0x6d: {  	_ =	shalt  }
0x6e: {  	_ =	shalt  }
0x6f: {  	_ =	shalt  }
0x70: {  	_ =	shalt  }
0x71: {  	_ =	shalt  }
0x72: {  	_ =	shalt  }
0x73: {  	_ =	shalt  }
0x74: {  	_ =	shalt  }
0x75: {  	_ =	shalt  }
0x76: {  	_ =	shalt  }
0x77: {  	_ =	shalt  }
0x78: {  	_ =	shalt  }
0x79: {  	_ =	shalt  }
0x7a: {  	_ =	shalt  }
0x7b: {  	_ =	shalt  }
0x7c: {  	_ =	shalt  }
0x7d: {  	_ =	shalt  }
0x7e: {  	_ =	shalt  }
0x7f: {  	_ =	shalt  }
0x80: {  	_ =	shalt  }
0x81: {  	_ =	shalt  }
0x82: {  	_ =	shalt  }
0x83: {  	_ =	shalt  }
0x84: {  	_ =	shalt  }
0x85: {  	_ =	shalt  }
0x86: {  	_ =	shalt  }
0x87: {  	_ =	shalt  }
.Lfunc_end0:
.L_simem_size_0:
called_computation.1_lowered:
.L_overlay_start_0:
0x88: {  	s2 =	sld [smem:$0x3FD9]  }
0x89: {  	s3 =	sld [smem:$0x3FFE];
	_ =	sdelay $0x1  }
0x8a: {  	s1 =	srdreg.scid  }
0x8b: {  	s0 =	sand.u32 $0x1, s1  }
0x8c: {  	s14 =	sshll.u32 s0, $0xA;
	s2 =	sadd.s32 s3, s2  }
0x8d: {  	s2 =	sadd.s32 s2, s14  }
0x8e: {  	[smem:$0x3FC2] =	sst s2  }
0x8f: {  	_ = 	snop  }
0x90: {  	s2 =	sld [smem:$0x3FD0];
	_ =	sdelay $0x2  }
0x91: {  	s4 =	simm.s32 $0xB;
	s5 =	simm.s32 $0x10;
	s15 =	sld [smem:$0x3FC7]  }
0x92: {  	[smem:s5], [sflag:s4] =	dma.local [hbm:s2], $0x1  }
0x93: {  	_ =	swait.eq [sflag:s4], $0x1  }
0x94: {  	[sflag:s4] =	ssyncset.done $0x0  }
0x95: {  	s16 =	sld [smem:$0x10];
	[sflag:s4] =	ssyncadd.s32 $0xFFFFFFFF  }
0x96: {  	s17 =	sld [smem:$0x11];
	(tm) =	ssettm $0x1  }
0x97: {  	s18 =	sld [smem:$0x3FFB];
	_ =	sdelay $0x3  }
0x98: {  	_ =	strace s18  }
0x99: {  	s5 =	sld [smem:$0x3FFC];
	_ =	sdelay $0x3  }
0x9a: {  	_ =	strace s5  }
0x9b: {  	s5 =	sld [smem:$0x3FFD];
	_ =	sdelay $0x3  }
0x9c: {  	_ =	strace s5  }
0x9d: {  	_ =	strace $0x8FFFFFFF  }
0x9e: {  	s19 =	sld [smem:$0x3FDB];
	_ =	sdelay $0x1  }
0x9f: {  	s6 =	simm.s32 $_scs_section_size  }
0xa0: {  	s7 =	simm.s32 $_size__tile_overlayer_lowered;
	s8 =	simm.s32 $_tile_overlayer_lowered  }
0xa1: {  	s22 =	simm.s32 $0x1BFF;
	s21 =	sshll.u32 s8, $0x1;
	s5 =	sadd.s32 s6, s19  }
0xa2: {  	s9 =	simm.s32 $0x0;
	s20 =	sshll.u32 s7, $0x1;
	s7 =	sadd.s32 s21, s5  }
0xa3: {  	[timem:s9], [sflag:s22] =	dma.local [hbm:s7], s20  }
0xa4: {  	_ =	swait.ge [sflag:s22], s20  }
0xa5: {  	s6 =	ssub.s32 $0x0, s20;
	[sflag:s22] =	ssyncset.done $0x0  }
0xa6: {  	[sflag:s22] =	ssyncadd.s32 s6;
	_ =	sdelay $0x1  }
0xa7: {  	s23 =	simm.s32 $0x1B8B  }
0xa8: {  	_ =	swait.ge [sflag:s23], $0x1  }
0xa9: {  	[sflag:s23] =	ssyncset.done $0x0  }
0xaa: {  	s25 =	simm.s32 $0x1B8E;
	s24 =	sld [smem:$0x3FFE];
	[sflag:s23] =	ssyncadd.s32 $0xFFFFFFFF  }
0xab: {  	s26 =	simm.s32 $execute0_lowered;
	[smem:$0x3FD2] =	sst s25  }
0xac: {  	s7 =	sshll.u32 s26, $0x1;
	_ =	strace $0x80000049;
	[dreg:$0x1] =	wrdreg $0xFFFFFFFF  }
0xad: {  	s28 =	simm.s32 $_size_execute0_lowered;
	s5 =	sadd.s32 s5, s7;
	[dreg:$0x0] =	wrdreg $0x0  }
0xae: {  	s7 =	sshll.u32 s28, $0x1;
	[dreg:$0x2] =	wrdreg s5  }
0xaf: {  	[dreg:$0x3] =	wrdreg s7  }
0xb0: {  	[dreg:$0x4] =	wrdreg $0xC0  }
0xb1: {  	_ =	task [dreg:s9], $0x5FFFF  }
0xb2: {  	[dreg:$0x1] =	wrdreg $0xFFFFFFFF  }
0xb3: {  	[dreg:$0x0] =	wrdreg $0x60  }
0xb4: {  	[dreg:$0x2] =	wrdreg s24  }
0xb5: {  	[dreg:$0x3] =	wrdreg s16  }
0xb6: {  	[dreg:$0x4] =	wrdreg s15  }
0xb7: {  	[dreg:$0x5] =	wrdreg s17  }
0xb8: {  	[dreg:$0x6] =	wrdreg $0x9  }
0xb9: {  	_ =	task.clear_ibuf [dreg:s9], $0x7FFFF;
	_ =	strace $0x90000049  }
0xba: {  	s29 =	simm.s32 $0x9;
	_ =	strace $0x8000004B  }
0xbb: {  	_ =	swait.ge [sflag:s29], $0x1  }
0xbc: {  	[sflag:s29] =	ssyncadd.s32 $0xFFFFFFFF  }
0xbd: {  	_ =	strace $0x9000004B  }
0xbe: {  	_ =	sfence  }
0xbf: {  	s30 =	sld [smem:$0x0];
	_ =	sdelay $0x2  }
0xc0: {  	s31 =	sshll.u32 s1, $0xD;
	s1 =	sshrl.u32 s1, $0x2  }
0xc1: {  	s3 =	sand.u32 $0x4000, s31;
	s1 =	sadd.s32 s1, s30  }
0xc2: {  	s0 =	sor.u32 s3, s0;
	s1 =	sshll.u32 s1, $0x11  }
0xc3: {  	s0 =	sor.u32 s1, s0  }
0xc4: {  	s0 =	sadd.s32 $0x8F2B, s0  }
0xc5: {  	[sflag:s0] =	ssyncadd.remote.s32 $0x1  }
0xc6: {  	_ =	sfence.sel $0xFFFF  }
0xc7: {  	[dreg:$0x0] =	wrdreg $0xFFFFFFFF;
	(pc) =	sbr.abs _section_cstart, $3  }
0xc8: {  	[dreg:$0x1] =	wrdreg $0xFFFFFFFF  }
0xc9: {  	_ =	task.clear_ibuf [dreg:s9], $0x2FFFF;
	_ =	strace $0x9FFFFFFF  }
0xca: {  	(tm) =	ssettm $0x7FFFFFFF  }
0xcb: {  	_ =	shalt  }
tec
execute0_lowered:
.L_overlay_start_1:
0x0: {  	(tag) =	ssettag $0x1  }
0x1: {  	s4 =	rddreg [dreg:$0x0]  }
0x2: {  	s5 =	rddreg [dreg:$0x1]  }
0x3: {  	s6 =	rddreg [dreg:$0x2]  }
0x4: {  	s7 =	rddreg [dreg:$0x3]  }
0x5: {  	s0 =	rddreg [dreg:$0x4];
	s3 =	srdreg.scid  }
0x6: {  	s1 =	stileid.u32;
	s2 =	simm.s32 $0x0;
	s11 =	simm.s32 $0x4F00  }
0x7: {  	s12 =	simm.s32 $0x7680;
	s3 =	sand.u32 $0x1, s3;
	s8 =	sshll.u32 s1, $0x1  }
0x8: {  	s14 =	simm.s32 $0x0;
	[smem:$0x7FF] =	sst s2;
	s13 =	sor.u32 s3, s8  }
0x9: {  	_ =	strace $0x8000004A;
	s31 =	ssub.s32 $0x2, s3;
	s3 =	sadd.s32 $0xA00, s4  }
0xa: {  	s4 =	sadd.s32 $0xA800, s4;
	s9 =	smul.u32 $0x4E2, s13;
	s10 =	sshrl.u32 s31, $0x1  }
0xb: {  	p0 =	sne.s32 s13, $0x0;
	s13 =	simm.s32 $0x9E00;
	s8 =	ssub.s32 s31, s10  }
0xc: {  	s10 =	simm.s32 $0x1;
	s5 =	sadd.s32 s5, s9;
	s6 =	sadd.s32 s6, s9  }
0xd: {  	s7 =	sadd.s32 s7, s9;
	s8 =	smax.u32 s8, $0x1;
	s9 =	simm.s32 $0x2780  }
.LBB2_1:
0xe: {  	[tilespmem:s2], [sflag:$0x1] =	stream.linear.gather [hbm4b:s3+s2], $0x2710, $0x38;
	[tilespmem:$0xC580] =	vst v63  }
0xf: {  	_ =	swait.ge [sflag:s10], $0x2710  }
0x10: {  	[sflag:s10] =	ssyncset.done $0x0  }
0x11: {  	s15 =	simm.s32 $0x1;
	[sflag:s10] =	ssyncadd.s32 $0xFFFFD8F0  }
.LBB2_2:
0x12: {  	s16 =	smul.u32 $0x4E2, s15;
	_ =	sdelay $0x1  }
0x13: {  	s17 =	simm.s32 $0x0;
	s16 =	sadd.s32 s3, s16  }
0x14: {  	[tilespmem:s9], [sflag:$0x1] =	stream.linear.gather [hbm4b:s16+s17], $0x2710, $0x38;
	[tilespmem:$0xC580] =	vst v63  }
0x15: {  	_ =	swait.ge [sflag:s10], $0x2710  }
0x16: {  	[sflag:s10] =	ssyncset.done $0x0  }
0x17: {  	s16 =	simm.s32 $0x0;
	[sflag:s10] =	ssyncadd.s32 $0xFFFFD8F0  }
0x18: {  	s17 =	simm.s32 $0x40;
	v0 =	vld [tilespmem:s16+$0x2780]  }
.LBB2_3:
0x19: {  	p1 =	sne.s32 s17, $0x9C00;
	v1 =	vld [tilespmem:s16+$0x0];
	_ =	sdelay $0x2  }
.Ltmp0:
0x1a: {  	(pc) =	sbr.rel @p1 .LBB2_3-.Ltmp0, $4  }
0x1b: {  	_ = 	snop  }
0x1c: {  	v1 =	vadd.f32 v0, v1  }
0x1d: {  	s18 =	sshra.s32 s17, $0x2  }
0x1e: {  	s17 =	sadd.s32 $0x40, s17;
	v0 =	vld [tilespmem:s18+$0x2780];
	[tilespmem:s16+$0x0] =	vst v1;
	s16 =	smov.u32 s18  }
0x1f: {  	v1 =	vld [tilespmem:s16+$0x0]  }
0x20: {  	s15 =	sadd.s32 $0x1, s15  }
0x21: {  	p1 =	sne.s32 s15, $0x20  }
.Ltmp1:
0x22: {  	_ = 	snop;
	(pc) =	sbr.rel @p1 .LBB2_2-.Ltmp1, $3  }
0x23: {  	_ = 	snop  }
0x24: {  	v0 =	vadd.f32 v0, v1;
	_ =	sdelay $0x1  }
0x25: {  	[tilespmem:s16+$0x0] =	vst v0  }
0x26: {  	s15 =	simm.s32 $0x0  }
0x27: {  	[tilespmem:s11], [sflag:$0x1] =	stream.linear.gather [hbm4b:s5+s15], $0x2710, $0x38;
	[tilespmem:$0xC580] =	vst v63  }
0x28: {  	_ =	swait.ge [sflag:s10], $0x2710  }
0x29: {  	[sflag:s10] =	ssyncset.done $0x0  }
0x2a: {  	[sflag:s10] =	ssyncadd.s32 $0xFFFFD8F0  }
0x2b: {  	[tilespmem:s12], [sflag:$0x1] =	stream.linear.gather [hbm4b:s6+s15], $0x2710, $0x38;
	[tilespmem:$0xC580] =	vst v63  }
0x2c: {  	_ =	swait.ge [sflag:s10], $0x2710  }
0x2d: {  	[sflag:s10] =	ssyncset.done $0x0  }
0x2e: {  	s15 =	simm.s32 $0x0;
	[sflag:s10] =	ssyncadd.s32 $0xFFFFD8F0  }
0x2f: {  	v0 =	vld [tilespmem:s15+$0x7680];
	_ =	sdelay $0x7  }
0x30: {  	v0 =	vld.idx.msk [tilespmem:v0+s2+$0x0], $0xffff;
	_ =	sdelay $0x4  }
0x31: {  	(erf) = vrcp.f32 v0;
	_ =	sdelay $0x3  }
0x32: {  	s17 =	simm.s32 $0x10;
	s16 =	simm.s32 $0x80;
	v0 =	vld [tilespmem:s15+$0x4F00]  }
.LBB2_6:
0x33: {  	p1 =	sne.s32 s16, $0x9C00;
	v1 =	vld [tilespmem:s17+$0x7680];
	_ =	sdelay $0x3  }
0x34: {  	v2 =	vpop (erf)  }
0x35: {  	v0 =	vmul.f32 v2, v0;
	_ =	sdelay $0x1  }
0x36: {  	[tilespmem:s15+$0x9E00] =	vst v0;
	s15 =	smov.u32 s17  }
0x37: {  	v0 =	vld.idx.msk [tilespmem:v1+s2+$0x0], $0xffff;
	_ =	sdelay $0x5  }
.Ltmp2:
0x38: {  	(erf) = vrcp.f32 v0;
	(pc) =	sbr.rel @p1 .LBB2_6-.Ltmp2, $2  }
0x39: {  	_ =	sdelay $0x2  }
0x3a: {  	s17 =	sshra.s32 s16, $0x2;
	s16 =	sadd.s32 $0x40, s16;
	v0 =	vld [tilespmem:s15+$0x4F00]  }
0x3b: {  	v1 =	vld [tilespmem:s17+$0x7680];
	_ =	sdelay $0x3  }
0x3c: {  	v2 =	vpop (erf)  }
0x3d: {  	v0 =	vmul.f32 v2, v0;
	_ =	sdelay $0x1  }
0x3e: {  	[tilespmem:s15+$0x9E00] =	vst v0  }
0x3f: {  	v0 =	vld.idx.msk [tilespmem:v1+s2+$0x0], $0xffff;
	_ =	sdelay $0x4  }
0x40: {  	(erf) = vrcp.f32 v0;
	_ =	sdelay $0x4  }
0x41: {  	v62 =	vld [tilespmem:s17+$0x4F00];
	_ =	sdelay $0x3  }
0x42: {  	v63 =	vpop (erf)  }
0x43: {  	v0 =	vmul.f32 v63, v62;
	_ =	sdelay $0x1  }
0x44: {  	[tilespmem:s17+$0x9E00] =	vst v0  }
0x45: {  	[hbm4b:s7+s2] =	stream.linear.scatter [tilespmem:s13], [sflag:$0x1], $0x2710, $0x38;
	[tilespmem:$0xC580] =	vst v63  }
0x46: {  	_ =	swait.ge [sflag:s10], $0x2710  }
0x47: {  	s14 =	sadd.s32 $0x1, s14;
	[sflag:s10] =	ssyncset.done $0x0  }
0x48: {  	p1 =	sne.s32 s14, s8;
	s15 =	simm.s32 @!p0 $0x0;
	[sflag:s10] =	ssyncadd.s32 $0xFFFFD8F0  }
0x49: {  	[hbm4b:s4+s15] =	stream.linear.scatter @!p0 [tilespmem:s15], [sflag:$0x1], $0x2780, $0x38;
	[tilespmem:$0xC580] =	vst v63  }
.Ltmp3:
0x4a: {  	_ = 	snop;
	(pc) =	sbr.rel @p1 .LBB2_1-.Ltmp3, $4  }
0x4b: {  	s15 =	simm.s32 @!p0 $0x1  }
0x4c: {  	_ =	swait.ge @!p0 [sflag:s15], $0x2780  }
0x4d: {  	[sflag:s15] =	ssyncset.done @!p0 $0x0  }
0x4e: {  	[sflag:s15] =	ssyncadd.s32 @!p0 $0xFFFFD880  }
0x4f: {  	_ =	sfence.sel $0x180000  }
0x50: {  	[bflag:$0x0] =	sbarrier.arrive $0xFFFF  }
0x51: {  	p0 =	sne.s32 s1, $0x0;
	_ =	strace $0x9000004A  }
0x52: {  	s0 =	sadd.s32 @!p0 $0x100000, s0;
	[bflag:$0x2] =	sbarrier.arrive $0xFFFF  }
0x53: {  	[sflag:s0] =	ssyncadd.tile.s32 @!p0 $0x1;
	_ =	shalt  }
.Lfunc_end2:
_tile_overlayer_lowered:
.L_overlay_start_2:
0x54: {  	(tag) =	ssettag $0x2  }
0x55: {  	s0 =	rddreg [dreg:$0x0];
	s2 =	stileid.u32  }
0x56: {  	s1 =	rddreg [dreg:$0x1];
	p0 =	sne.s32 s2, $0x0  }
0x57: {  	s3 =	rddreg [dreg:$0x2];
	[bflag:$0x3] =	sbarrier.arrive $0xFFFF;
	s2 =	simm.s32 @!p0 $0x1C01  }
0x58: {  	[timem:s3], [sflag:s2] =	dma.local @!p0 [hbm:s0], s1  }
0x59: {  	s0 =	simm.s32 @!p0 $0x1  }
0x5a: {  	_ =	swait.ge @!p0 [sflag:s0], s1  }
0x5b: {  	s1 =	ssub.s32 @!p0 $0x0, s1;
	[sflag:s0] =	ssyncset.done @!p0 $0x0  }
0x5c: {  	[sflag:s0] =	ssyncadd.s32 @!p0 s1  }
0x5d: {  	[bflag:$0x3] =	sbarrier.arrive $0xFFFF  }
0x5e: {  	_ =	shalt  }

// kernel: kernel.13.cloned.1.call-start
scs
__scs_entry_jumppad:
0x0: {  	(pc) =	sbr.rel $0x88, $3  }
0x1: {  	(tag) =	ssettag $0x0;
	lr =	simm.s32 $0x1  }
0x2: {  	[smem:$0x3F9B] =	sst lr;
	_ =	strace $0xD0000000  }
0x3: {  	_ = 	snop  }
0x4: {  	_ = 	snop  }
0x5: {  	_ = 	snop  }
0x6: {  	_ = 	snop  }
0x7: {  	_ = 	snop  }
__scs_overlays_trampoline_lowered:
0x8: {  	[smem:$0x3FAA] =	sst s0  }
0x9: {  	[smem:$0x3FAB] =	sst s1  }
0xa: {  	[smem:$0x3FAC] =	sst s2  }
0xb: {  	[smem:$0x3FAD] =	sst s3  }
0xc: {  	[smem:$0x3FAE] =	sst s4  }
0xd: {  	[smem:$0x3FAF] =	sst s5  }
0xe: {  	[smem:$0x3FB0] =	sst s6  }
0xf: {  	[smem:$0x3FB1] =	sst s7  }
0x10: {  	[smem:$0x3FB2] =	sst s8  }
0x11: {  	[smem:$0x3FB3] =	sst s9;
	s0 =	simm.s32 @!p0 $0x0  }
0x12: {  	s1 =	sld [smem:$0x3F99];
	s0 =	simm.s32 @p0 $0x1  }
0x13: {  	[smem:$0x3FB4] =	sst s0;
	s0 =	simm.s32 @!p1 $0x0  }
0x14: {  	s2 =	sld [smem:$0x3F98];
	s0 =	simm.s32 @p1 $0x1  }
0x15: {  	[smem:$0x3FB5] =	sst s0;
	s0 =	simm.s32 @!p2 $0x0  }
0x16: {  	s3 =	sld [smem:$0x3FDB];
	s0 =	simm.s32 @p2 $0x1  }
0x17: {  	s4 =	simm.s32 $0x1BF5;
	[smem:$0x3FB7] =	sst s0  }
0x18: {  	s0 =	sld [smem:$0x3F9A];
	_ =	swait.ge [sflag:s4], $0x0  }
0x19: {  	s7 =	sld [smem:$0x3F9B]  }
0x1a: {  	s8 =	sadd.s32 $0xFFFFE003, lr  }
0x1b: {  	s9 =	sadd.s32 $0xFFFFFEF7, lr;
	s5 =	simm.s32 $0xFFFFFFFF;
	p2 =	slt.u32 s8, $0xFFFFF086  }
0x1c: {  	p1 =	slt.u32 s9, $0xF7A;
	s5 =	simm.s32 @!p2 $0x0  }
0x1d: {  	s5 =	simm.s32 @p1 $0x1;
	p0 =	seq.s32 s7, s2  }
0x1e: {  	s7 =	smul.u32 @!p0 $0xF7A, s2;
	p2 =	seq.s32 @!p0 s5, $0x0  }
0x1f: {  	s9 =	smul.u32 $0xF7A, s1;
	s8 =	simm.s32 @!p0 $0x1BF5;
	p2 =	por !p2, p0  }
0x20: {  	[sflag:s8] =	ssyncset.s32 @!p0 $0xFFFFF086;
	s6 =	sadd.s32 @!p0 s3, s7;
	s7 =	simm.s32 @!p0 $0x108  }
0x21: {  	s3 =	sadd.s32 s3, s9;
	s6 =	sadd.s32 @!p0 $0x88, s6;
	s7 =	simm.s32 @p2 $0x1082  }
0x22: {  	[simem:s7], [sflag:s8] =	dma.local @!p0 [hbm:s6], $0xF7A  }
0x23: {  	s9 =	sor.u32 $0xD0000000, s2;
	s6 =	simm.s32 $0x108;
	_ =	swait.ge @!p0 [sflag:s8], $0x0  }
0x24: {  	s3 =	sadd.s32 $0x88, s3;
	s6 =	simm.s32 @!p1 $0x1082;
	[sflag:s4] =	ssyncset.s32 $0xFFFFF086  }
0x25: {  	[simem:s6], [sflag:s4] =	dma.local [hbm:s3], $0xF7A  }
0x26: {  	[smem:$0x3F9B] =	sst s1;
	(tag) =	ssettag s2;
	_ =	strace s9  }
0x27: {  	s1 =	sld [smem:$0x3FAB]  }
0x28: {  	s2 =	sld [smem:$0x3FAC]  }
0x29: {  	s4 =	sld [smem:$0x3FAE]  }
0x2a: {  	p0 =	seq.s32 s5, $0x0;
	s5 =	sld [smem:$0x3FAF]  }
0x2b: {  	s6 =	sld [smem:$0x3FB0]  }
0x2c: {  	s7 =	sld [smem:$0x3FB1]  }
0x2d: {  	s3 =	simm.s32 $0x108;
	s8 =	sld [smem:$0x3FB2]  }
0x2e: {  	s3 =	simm.s32 @!p0 $0x1082;
	s9 =	sld [smem:$0x3FB3]  }
0x2f: {  	lr =	sadd.s32 s0, s3;
	s0 =	sld [smem:$0x3FAA]  }
0x30: {  	s3 =	sld [smem:$0x3FAD]  }
0x31: {  	[smem:$0x3FB6] =	sst s10  }
0x32: {  	s10 =	sld [smem:$0x3FB4];
	_ =	sdelay $0x3  }
0x33: {  	p0 =	seq.s32 s10, $0x1;
	s10 =	sld [smem:$0x3FB6];
	_ =	sdelay $0x3  }
0x34: {  	[smem:$0x3FB6] =	sst s10  }
0x35: {  	s10 =	sld [smem:$0x3FB5];
	_ =	sdelay $0x3  }
0x36: {  	p1 =	seq.s32 s10, $0x1;
	s10 =	sld [smem:$0x3FB6];
	_ =	sdelay $0x3  }
0x37: {  	[smem:$0x3FB6] =	sst s10  }
0x38: {  	s10 =	sld [smem:$0x3FB7]  }
0x39: {  	_ = 	snop;
	(pc) =	sbr.ind lr, $3  }
0x3a: {  	_ = 	snop  }
0x3b: {  	_ = 	snop  }
0x3c: {  	p2 =	seq.s32 s10, $0x1;
	s10 =	sld [smem:$0x3FB6]  }
0x3d: {  	_ =	shalt  }
0x3e: {  	_ =	shalt  }
0x3f: {  	_ =	shalt  }
0x40: {  	_ =	shalt  }
0x41: {  	_ =	shalt  }
0x42: {  	_ =	shalt  }
0x43: {  	_ =	shalt  }
0x44: {  	_ =	shalt  }
0x45: {  	_ =	shalt  }
0x46: {  	_ =	shalt  }
0x47: {  	_ =	shalt  }
0x48: {  	_ =	shalt  }
0x49: {  	_ =	shalt  }
0x4a: {  	_ =	shalt  }
0x4b: {  	_ =	shalt  }
0x4c: {  	_ =	shalt  }
0x4d: {  	_ =	shalt  }
0x4e: {  	_ =	shalt  }
0x4f: {  	_ =	shalt  }
0x50: {  	_ =	shalt  }
0x51: {  	_ =	shalt  }
0x52: {  	_ =	shalt  }
0x53: {  	_ =	shalt  }
0x54: {  	_ =	shalt  }
0x55: {  	_ =	shalt  }
0x56: {  	_ =	shalt  }
0x57: {  	_ =	shalt  }
0x58: {  	_ =	shalt  }
0x59: {  	_ =	shalt  }
0x5a: {  	_ =	shalt  }
0x5b: {  	_ =	shalt  }
0x5c: {  	_ =	shalt  }
0x5d: {  	_ =	shalt  }
0x5e: {  	_ =	shalt  }
0x5f: {  	_ =	shalt  }
0x60: {  	_ =	shalt  }
0x61: {  	_ =	shalt  }
0x62: {  	_ =	shalt  }
0x63: {  	_ =	shalt  }
0x64: {  	_ =	shalt  }
0x65: {  	_ =	shalt  }
0x66: {  	_ =	shalt  }
0x67: {  	_ =	shalt  }
0x68: {  	_ =	shalt  }
0x69: {  	_ =	shalt  }
0x6a: {  	_ =	shalt  }
0x6b: {  	_ =	shalt  }
0x6c: {  	_ =	shalt  }
0x6d: {  	_ =	shalt  }
0x6e: {  	_ =	shalt  }
0x6f: {  	_ =	shalt  }
0x70: {  	_ =	shalt  }
0x71: {  	_ =	shalt  }
0x72: {  	_ =	shalt  }
0x73: {  	_ =	shalt  }
0x74: {  	_ =	shalt  }
0x75: {  	_ =	shalt  }
0x76: {  	_ =	shalt  }
0x77: {  	_ =	shalt  }
0x78: {  	_ =	shalt  }
0x79: {  	_ =	shalt  }
0x7a: {  	_ =	shalt  }
0x7b: {  	_ =	shalt  }
0x7c: {  	_ =	shalt  }
0x7d: {  	_ =	shalt  }
0x7e: {  	_ =	shalt  }
0x7f: {  	_ =	shalt  }
0x80: {  	_ =	shalt  }
0x81: {  	_ =	shalt  }
0x82: {  	_ =	shalt  }
0x83: {  	_ =	shalt  }
0x84: {  	_ =	shalt  }
0x85: {  	_ =	shalt  }
0x86: {  	_ =	shalt  }
0x87: {  	_ =	shalt  }
.Lfunc_end0:
.L_simem_size_0:
called_computation.2_lowered:
.L_overlay_start_0:
0x88: {  	s2 =	sld [smem:$0x3FD9]  }
0x89: {  	s3 =	sld [smem:$0x3FFE];
	_ =	sdelay $0x1  }
0x8a: {  	s1 =	srdreg.scid  }
0x8b: {  	s0 =	sand.u32 $0x1, s1  }
0x8c: {  	s15 =	sshll.u32 s0, $0xA;
	s2 =	sadd.s32 s3, s2  }
0x8d: {  	s2 =	sadd.s32 s2, s15  }
0x8e: {  	[smem:$0x3FC2] =	sst s2  }
0x8f: {  	_ = 	snop  }
0x90: {  	s16 =	sld [smem:$0x3FD0];
	_ =	sdelay $0x1  }
0x91: {  	s4 =	sld [smem:$0x3FC9]  }
0x92: {  	s5 =	simm.s32 $0xB;
	s6 =	simm.s32 $0x10;
	s2 =	sld [smem:$0x3FC7]  }
0x93: {  	[smem:s6], [sflag:s5] =	dma.local [hbm:s16], $0x1  }
0x94: {  	_ =	swait.eq [sflag:s5], $0x1  }
0x95: {  	[sflag:s5] =	ssyncset.done $0x0  }
0x96: {  	[sflag:s5] =	ssyncadd.s32 $0xFFFFFFFF  }
0x97: {  	s17 =	sld [smem:$0x10];
	(tm) =	ssettm $0x1  }
0x98: {  	s18 =	sld [smem:$0x3FFB];
	_ =	sdelay $0x3  }
0x99: {  	_ =	strace s18  }
0x9a: {  	s3 =	sld [smem:$0x3FFC];
	_ =	sdelay $0x3  }
0x9b: {  	_ =	strace s3  }
0x9c: {  	s3 =	sld [smem:$0x3FFD];
	_ =	sdelay $0x3  }
0x9d: {  	_ =	strace s3  }
0x9e: {  	_ =	strace $0x8FFFFFFF  }
0x9f: {  	s19 =	sld [smem:$0x3FDB];
	_ =	sdelay $0x1  }
0xa0: {  	s20 =	simm.s32 $_scs_section_size  }
0xa1: {  	s7 =	simm.s32 $_size__tile_overlayer_lowered;
	s8 =	simm.s32 $_tile_overlayer_lowered  }
0xa2: {  	s9 =	simm.s32 $0x1BFF;
	s21 =	sshll.u32 s8, $0x1;
	s6 =	sadd.s32 s20, s19  }
0xa3: {  	s22 =	simm.s32 $0x0;
	s7 =	sshll.u32 s7, $0x1;
	s8 =	sadd.s32 s21, s6  }
0xa4: {  	[timem:s22], [sflag:s9] =	dma.local [hbm:s8], s7  }
0xa5: {  	_ =	swait.ge [sflag:s9], s7  }
0xa6: {  	s7 =	ssub.s32 $0x0, s7;
	[sflag:s9] =	ssyncset.done $0x0  }
0xa7: {  	[sflag:s9] =	ssyncadd.s32 s7;
	_ =	sdelay $0x1  }
0xa8: {  	s23 =	simm.s32 $0x1B8B  }
0xa9: {  	_ =	swait.ge [sflag:s23], $0x1  }
0xaa: {  	[sflag:s23] =	ssyncset.done $0x0  }
0xab: {  	[sflag:s23] =	ssyncadd.s32 $0xFFFFFFFF  }
0xac: {  	s7 =	sld [smem:$0x0]  }
0xad: {  	s8 =	sand.u32 $0xFFFFFFFE, s1  }
0xae: {  	p0 =	sne.s32 s1, s8  }
0xaf: {  	s8 =	sshll.u32 @p0 s8, $0xE  }
0xb0: {  	s8 =	sadd.s32 @p0 $0x11B8D, s8;
	s9 =	sshll.u32 @p0 s7, $0x11  }
0xb1: {  	s8 =	sor.u32 @p0 s9, s8  }
0xb2: {  	[sflag:s8] =	ssyncadd.remote.s32 @p0 $0x1;
	_ =	sdelay $0x1  }
0xb3: {  	s8 =	simm.s32 @p0 $0x1B8D  }
0xb4: {  	_ =	swait.eq @p0 [sflag:s8], $0x1  }
0xb5: {  	[sflag:s8] =	ssyncadd.s32 @p0 $0xFFFFFFFF  }
0xb6: {  	s9 =	sshll.u32 @!p0 s1, $0xE  }
0xb7: {  	s9 =	sor.u32 @!p0 $0x4000, s9;
	s8 =	simm.s32 @!p0 $0x1B8D  }
0xb8: {  	s7 =	sshll.u32 @!p0 s7, $0x11;
	s9 =	sadd.s32 @!p0 $0x11B8D, s9;
	_ =	swait.eq @!p0 [sflag:s8], $0x1  }
0xb9: {  	s7 =	sor.u32 @!p0 s7, s9;
	[sflag:s8] =	ssyncadd.s32 @!p0 $0xFFFFFFFF  }
0xba: {  	s25 =	simm.s32 $0x1B8E;
	s24 =	sld [smem:$0x3FFE];
	[sflag:s7] =	ssyncadd.remote.s32 @!p0 $0x1  }
0xbb: {  	s26 =	simm.s32 $execute0_lowered;
	[smem:$0x3FD2] =	sst s25  }
0xbc: {  	s8 =	sshll.u32 s26, $0x1;
	_ =	strace $0x8000004C;
	[dreg:$0x1] =	wrdreg $0xFFFFFFFF  }
0xbd: {  	s28 =	simm.s32 $_size_execute0_lowered;
	s6 =	sadd.s32 s6, s8;
	[dreg:$0x0] =	wrdreg $0x0  }
0xbe: {  	s8 =	sshll.u32 s28, $0x1;
	[dreg:$0x2] =	wrdreg s6  }
0xbf: {  	[dreg:$0x3] =	wrdreg s8  }
0xc0: {  	[dreg:$0x4] =	wrdreg $0xC0  }
0xc1: {  	_ =	task [dreg:s22], $0x5FFFF  }
0xc2: {  	[dreg:$0x1] =	wrdreg $0xFFFFFFFF  }
0xc3: {  	[dreg:$0x0] =	wrdreg $0x60  }
0xc4: {  	[dreg:$0x2] =	wrdreg s4  }
0xc5: {  	[dreg:$0x3] =	wrdreg s17  }
0xc6: {  	[dreg:$0x4] =	wrdreg s2  }
0xc7: {  	[dreg:$0x5] =	wrdreg s24  }
0xc8: {  	[dreg:$0x6] =	wrdreg $0xBB000  }
0xc9: {  	[dreg:$0x7] =	wrdreg $0xA  }
0xca: {  	_ =	task.clear_ibuf [dreg:s22], $0x8FFFF;
	_ =	strace $0x9000004C  }
0xcb: {  	s29 =	simm.s32 $0xA;
	_ =	strace $0x8000004E  }
0xcc: {  	_ =	swait.ge [sflag:s29], $0x1  }
0xcd: {  	[sflag:s29] =	ssyncadd.s32 $0xFFFFFFFF  }
0xce: {  	_ =	strace $0x9000004E  }
0xcf: {  	_ =	sfence  }
0xd0: {  	s30 =	sld [smem:$0x0];
	_ =	sdelay $0x2  }
0xd1: {  	s31 =	sshll.u32 s1, $0xD;
	s1 =	sshrl.u32 s1, $0x2  }
0xd2: {  	s4 =	sand.u32 $0x4000, s31;
	s1 =	sadd.s32 s1, s30  }
0xd3: {  	s0 =	sor.u32 s4, s0;
	s1 =	sshll.u32 s1, $0x11  }
0xd4: {  	s0 =	sor.u32 s1, s0  }
0xd5: {  	s0 =	sadd.s32 $0x8F2B, s0  }
0xd6: {  	[sflag:s0] =	ssyncadd.remote.s32 $0x1  }
0xd7: {  	_ =	sfence.sel $0xFFFF  }
0xd8: {  	[dreg:$0x0] =	wrdreg $0xFFFFFFFF;
	(pc) =	sbr.abs _section_cstart, $3  }
0xd9: {  	[dreg:$0x1] =	wrdreg $0xFFFFFFFF  }
0xda: {  	_ =	task.clear_ibuf [dreg:s22], $0x2FFFF;
	_ =	strace $0x9FFFFFFF  }
0xdb: {  	(tm) =	ssettm $0x7FFFFFFF  }
tec
execute0_lowered:
.L_overlay_start_1:
0x0: {  	(tag) =	ssettag $0x1  }
0x1: {  	s0 =	rddreg [dreg:$0x0]  }
0x2: {  	s2 =	rddreg [dreg:$0x1]  }
0x3: {  	s3 =	rddreg [dreg:$0x2]  }
0x4: {  	s8 =	rddreg [dreg:$0x3]  }
0x5: {  	s4 =	srdreg.scid;
	s1 =	stileid.u32  }
0x6: {  	s5 =	rddreg [dreg:$0x4];
	s6 =	simm.s32 $0x0;
	s17 =	simm.s32 $0x1  }
0x7: {  	s18 =	simm.s32 $0x3200;
	s19 =	simm.s32 $0x80;
	s20 =	simm.s32 $0xBA00  }
0x8: {  	s21 =	simm.s32 $0xBA80;
	s22 =	simm.s32 $0x7A00;
	s9 =	sand.u32 $0x1, s4  }
0x9: {  	s7 =	sshll.u32 s1, $0x1;
	[smem:$0x7FF] =	sst s6;
	s10 =	smul.u32 $0x4F000, s1  }
0xa: {  	s12 =	sadd.s32 $0xAE00, s8;
	s16 =	smul.u32 $0x2780, s1;
	p0 =	seq.s32 s1, $0xF  }
0xb: {  	s7 =	sor.u32 s9, s7;
	s31 =	ssub.s32 $0x2, s9;
	s13 =	smul.u32 $0x27100, s9  }
0xc: {  	v0 =	vlaneseq.u32;
	v1 =	vimm.f32 $0.0e+00;
	_ =	strace $0x8000004D;
	s14 =	smul.u32 $0x138800, s9;
	s11 =	sshrl.u32 s31, $0x1  }
0xd: {  	v2 =	vor.u32 $0x10, v0;
	v3 =	vor.u32 $0x20, v0;
	v4 =	vor.u32 $0x30, v0;
	s7 =	smul.u32 $0x2710, s7;
	s10 =	sshrl.u32 s10, $0x2;
	s15 =	ssub.s32 s31, s11  }
0xe: {  	v5 =	vor.u32 $0x40, v0;
	v6 =	vor.u32 $0x50, v0;
	v7 =	vor.u32 $0x60, v0;
	s8 =	sadd.s32 s10, s5;
	s10 =	sadd.s32 $0x128400, s5;
	s14 =	sshrl.u32 s14, $0x3  }
0xf: {  	v8 =	vor.u32 $0x70, v0;
	v9 =	vor.u32 $0x80, v0;
	v10 =	vor.u32 $0x90, v0;
	s11 =	sadd.s32 $0x138400, s5;
	s13 =	sadd.s32 s16, s13;
	s16 =	simm.s32 $0x3600  }
0x10: {  	v11 =	vor.u32 $0xA0, v0;
	v12 =	vor.u32 $0xB0, v0;
	v13 =	vor.u32 $0xC0, v0;
	s9 =	sadd.s32 $0x10000, s8;
	s14 =	sadd.s32 s12, s14;
	s12 =	sadd.s32 s12, s13  }
0x11: {  	v14 =	vor.u32 $0xD0, v0;
	v15 =	vor.u32 $0xE0, v0;
	v16 =	vor.u32 $0xF0, v0;
	s13 =	sadd.s32 $0x25080, s14;
	s14 =	smax.u32 s15, $0x1;
	s15 =	simm.s32 $0x3A00  }
.LBB2_1:
0x12: {  	s24 =	simm.s32 $0x0  }
0x13: {  	v20 =	vor.u32 s24, v0;
	_ =	sdelay $0x1  }
0x14: {  	v22 =	vor.u32 s24, v2  }
0x15: {  	v19 =	vor.u32 s24, v3  }
0x16: {  	v18 =	vor.u32 s24, v4  }
0x17: {  	[tilespmem:v20+s15+$0x0] =	vst.idx.msk $0xffff, v1;
	v20 =	vor.u32 s24, v5  }
0x18: {  	v21 =	vor.u32 s24, v6  }
0x19: {  	s23 =	simm.s32 $0x1;
	v17 =	vor.u32 s24, v8;
	[tilespmem:v22+s15+$0x0] =	vst.idx.msk $0xffff, v1;
	v22 =	vor.u32 s24, v7  }
.LBB2_2:
0x1a: {  	s24 =	sshll.u32 s23, $0x7;
	p1 =	sne.s32 s23, $0xFF;
	s23 =	sadd.s32 $0x1, s23;
	[tilespmem:v19+s15+$0x0] =	vst.idx.msk $0xffff, v1  }
0x1b: {  	v23 =	vor.u32 s24, v0;
	v24 =	vor.u32 s24, v8;
	[tilespmem:v18+s15+$0x0] =	vst.idx.msk $0xffff, v1  }
0x1c: {  	v25 =	vor.u32 s24, v2;
	[tilespmem:v20+s15+$0x0] =	vst.idx.msk $0xffff, v1  }
.Ltmp0:
0x1d: {  	v19 =	vor.u32 s24, v3;
	[tilespmem:v21+s15+$0x0] =	vst.idx.msk $0xffff, v1;
	(pc) =	sbr.rel @p1 .LBB2_2-.Ltmp0, $4  }
0x1e: {  	v18 =	vor.u32 s24, v4;
	[tilespmem:v22+s15+$0x0] =	vst.idx.msk $0xffff, v1  }
0x1f: {  	v20 =	vor.u32 s24, v5;
	[tilespmem:v17+s15+$0x0] =	vst.idx.msk $0xffff, v1;
	v17 =	vmov v24  }
0x20: {  	v21 =	vor.u32 s24, v6;
	[tilespmem:v23+s15+$0x0] =	vst.idx.msk $0xffff, v1  }
0x21: {  	v22 =	vor.u32 s24, v7;
	[tilespmem:v25+s15+$0x0] =	vst.idx.msk $0xffff, v1  }
0x22: {  	_ =	sdelay $0x3  }
0x23: {  	[tilespmem:v19+s15+$0x0] =	vst.idx.msk $0xffff, v1  }
0x24: {  	[tilespmem:v18+s15+$0x0] =	vst.idx.msk $0xffff, v1  }
0x25: {  	[tilespmem:v20+s15+$0x0] =	vst.idx.msk $0xffff, v1  }
0x26: {  	[tilespmem:v21+s15+$0x0] =	vst.idx.msk $0xffff, v1  }
0x27: {  	[tilespmem:v22+s15+$0x0] =	vst.idx.msk $0xffff, v1  }
0x28: {  	s23 =	simm.s32 @p0 $0x3A00;
	s24 =	simm.s32 @p0 $0x1;
	[tilespmem:v17+s15+$0x0] =	vst.idx.msk $0xffff, v1  }
0x29: {  	[spmem:s10] =	stream.linear.scatter @p0 [tilespmem:s23], [sflag:$0x1], $0x10000, $0x38;
	[tilespmem:$0x1F388] =	vst v63  }
0x2a: {  	_ =	swait.ge @p0 [sflag:s24], $0x10000  }
0x2b: {  	[sflag:s24] =	ssyncset.done @p0 $0x0  }
0x2c: {  	[sflag:s24] =	ssyncadd.s32 @p0 $0xFFFF0000  }
0x2d: {  	[spmem:s11] =	stream.linear.scatter @p0 [tilespmem:s23], [sflag:$0x1], $0x480, $0x38;
	[tilespmem:$0x1F388] =	vst v63  }
0x2e: {  	_ =	swait.ge @p0 [sflag:s24], $0x480  }
0x2f: {  	[sflag:s24] =	ssyncset.done @p0 $0x0  }
0x30: {  	s23 =	simm.s32 @!p0 $0x3A00;
	[sflag:s24] =	ssyncadd.s32 @p0 $0xFFFFFB80;
	s24 =	simm.s32 @!p0 $0x1  }
0x31: {  	[spmem:s8] =	stream.linear.scatter @!p0 [tilespmem:s23], [sflag:$0x1], $0x10000, $0x38;
	[tilespmem:$0x1F388] =	vst v63  }
0x32: {  	_ =	swait.ge @!p0 [sflag:s24], $0x10000  }
0x33: {  	[sflag:s24] =	ssyncset.done @!p0 $0x0  }
0x34: {  	[sflag:s24] =	ssyncadd.s32 @!p0 $0xFFFF0000  }
0x35: {  	[spmem:s9] =	stream.linear.scatter @!p0 [tilespmem:s23], [sflag:$0x1], $0x3C00, $0x38;
	[tilespmem:$0x1F388] =	vst v63  }
.Ltmp1:
0x36: {  	_ =	swait.ge @!p0 [sflag:s24], $0x3C00;
	(pc) =	sbr.rel .LBB2_4-.Ltmp1, $4  }
0x37: {  	[sflag:s24] =	ssyncset.done @!p0 $0x0  }
0x38: {  	v19 =	vimm.f32 $0.0e+00;
	v23 =	vimm.f32 $0.0e+00;
	[sflag:s24] =	ssyncadd.s32 @!p0 $0xFFFFC400  }
0x39: {  	v24 =	vimm.f32 $0.0e+00;
	s25 =	simm.s32 $0x0;
	v18 =	vimm.f32 $0.0e+00;
	v20 =	vimm.f32 $0.0e+00;
	[bflag:$0x0] =	sbarrier.arrive $0xFFFF  }
0x3a: {  	s26 =	simm.s32 $0x0;
	v21 =	vimm.f32 $0.0e+00;
	v22 =	vimm.f32 $0.0e+00;
	v17 =	vimm.f32 $0.0e+00;
	s23 =	simm.s32 $0x0;
	s24 =	simm.s32 $0x0  }
.LBB2_13:
0x3b: {  	s26 =	sadd.s32 $0x1, s26  }
0x3c: {  	p1 =	sne.s32 s26, $0xA  }
.Ltmp2:
0x3d: {  	_ = 	snop;
	(pc) =	sbr.rel @!p1 .LBB2_14-.Ltmp2, $1  }
0x3e: {  	_ =	sdelay $0x3  }
.LBB2_4:
0x3f: {  	s28 =	smul.u32 $0x3E8, s26;
	_ =	sdelay $0x1  }
0x40: {  	s28 =	sadd.s32 s7, s28  }
0x41: {  	s29 =	sshrl.u32 s28, $0x3  }
0x42: {  	s30 =	sadd.s32 s3, s29  }
0x43: {  	[tilespmem:s16], [sflag:$0x1] =	stream.linear.gather [hbm4b:s30+s24], $0x3E8, $0x38;
	[tilespmem:$0x1F388] =	vst v63  }
0x44: {  	_ =	swait.ge [sflag:s17], $0x3E8  }
0x45: {  	[sflag:s17] =	ssyncset.done $0x0  }
.Ltmp3:
0x46: {  	s29 =	sadd.s32 s2, s29;
	[sflag:s17] =	ssyncadd.s32 $0xFFFFFC18;
	(pc) =	sbr.rel .LBB2_5-.Ltmp3, $4  }
0x47: {  	[tilespmem:s18], [sflag:$0x1] =	stream.linear.gather [hbm4b:s29+s24], $0x3E8, $0x38;
	[tilespmem:$0x1F388] =	vst v63  }
0x48: {  	_ =	swait.ge [sflag:s17], $0x3E8  }
0x49: {  	[sflag:s17] =	ssyncset.done $0x0  }
0x4a: {  	s29 =	simm.s32 $0x0;
	[sflag:s17] =	ssyncadd.s32 $0xFFFFFC18  }
.LBB2_12:
0x4b: {  	s29 =	sadd.s32 $0x1, s29  }
0x4c: {  	p1 =	sne.s32 s29, $0xA  }
.Ltmp4:
0x4d: {  	_ = 	snop;
	(pc) =	sbr.rel @!p1 .LBB2_13-.Ltmp4, $1  }
0x4e: {  	_ =	sdelay $0x3  }
.LBB2_5:
0x4f: {  	s30 =	smul.u32 $0x64, s29;
	_ =	sdelay $0x1  }
0x50: {  	s31 =	sadd.s32 s30, s28  }
0x51: {  	s31 =	sshll.u32 s31, $0x4  }
.Ltmp5:
0x52: {  	s4 =	sadd.s32 s0, s31;
	s31 =	simm.s32 $0x0;
	(pc) =	sbr.rel .LBB2_6-.Ltmp5, $4  }
0x53: {  	[tilespmem:s31], [sflag:$0x1] =	stream.linear.gather [hbm4b:s4+s31], $0x3200, $0x38;
	[tilespmem:$0x1F388] =	vst v63  }
0x54: {  	_ =	swait.ge [sflag:s17], $0x3200  }
0x55: {  	[sflag:s17] =	ssyncset.done $0x0  }
0x56: {  	[sflag:s17] =	ssyncadd.s32 $0xFFFFCE00  }
.LBB2_7:
0x57: {  	s23 =	smov.u32 @p1 s23  }
.LBB2_11:
0x58: {  	s1 =	sshll.u32 s31, $0x7  }
0x59: {  	s1 =	sand.u32 $0x3FFFFF80, s1  }
0x5a: {  	v26 =	vld [tilespmem:s1+$0x0]  }
0x5b: {  	v27 =	vld [tilespmem:s1+$0x10]  }
0x5c: {  	v28 =	vld [tilespmem:s1+$0x20]  }
0x5d: {  	v29 =	vld [tilespmem:s1+$0x30]  }
0x5e: {  	v30 =	vld [tilespmem:s1+$0x40]  }
0x5f: {  	v31 =	vld [tilespmem:s1+$0x50]  }
0x60: {  	v32 =	vld [tilespmem:s1+$0x60]  }
0x61: {  	v33 =	vld [tilespmem:s1+$0x70]  }
0x62: {  	v26 =	vmul.f32 v26, v25;
	v27 =	vmul.f32 v27, v25  }
0x63: {  	v28 =	vmul.f32 v28, v25;
	v29 =	vmul.f32 v29, v25  }
0x64: {  	s31 =	sadd.s32 $0x1, s31;
	v30 =	vmul.f32 v30, v25;
	v31 =	vmul.f32 v31, v25;
	v24 =	vadd.f32 v26, v24  }
0x65: {  	p2 =	sne.s32 s31, $0x64;
	v32 =	vmul.f32 v32, v25;
	v23 =	vadd.f32 v27, v23;
	v22 =	vadd.f32 v28, v22  }
.Ltmp6:
0x66: {  	v25 =	vmul.f32 v33, v25;
	v21 =	vadd.f32 v29, v21;
	v20 =	vadd.f32 v30, v20;
	(pc) =	sbr.rel @!p2 .LBB2_12-.Ltmp6, $4  }
0x67: {  	v19 =	vadd.f32 v31, v19;
	v18 =	vadd.f32 v32, v18  }
0x68: {  	v17 =	vadd.f32 v25, v17;
	v24 =	vpsel p1, v24, v26;
	v23 =	vpsel p1, v23, v27  }
0x69: {  	v22 =	vpsel p1, v22, v28;
	v21 =	vpsel p1, v21, v29;
	v20 =	vpsel p1, v20, v30  }
0x6a: {  	v19 =	vpsel p1, v19, v31;
	v18 =	vpsel p1, v18, v32;
	v17 =	vpsel p1, v17, v25  }
.LBB2_6:
0x6b: {  	s4 =	sadd.s32 s30, s31  }
0x6c: {  	v25 =	vmov s4;
	_ =	sdelay $0x4  }
0x6d: {  	v26 =	vld.idx.msk [tilespmem:v25+s16+$0x0], $0xffff;
	_ =	sdelay $0x4  }
0x6e: {  	v26 =	vxor.u32 $0x80000000, v26  }
0x6f: {  	(xrf0) =	vmax.scan.msk.u32 $0xffff, v26;
	_ =	sdelay $0x5  }
0x70: {  	v26, _, _ =	vpop (xrf0)  }
0x71: {  	(v2sf) =	vpush v26, $0xF;
	_ =	sdelay $0xe  }
0x72: {  	s1 =	spop (v2sf)  }
0x73: {  	s4 =	smov.u32 s25;
	s25 =	sxor.u32 $0x80000000, s1  }
0x74: {  	p1 =	seq.s32 s25, s4  }
0x75: {  	s4 =	ssub.s32 @!p1 s4, s23  }
0x76: {  	v26 =	vlaneseq.u32 @!p1;
	s4 =	sshll.u32 @!p1 s4, $0x7  }
0x77: {  	v28 =	vor.u32 @!p1 $0x10, v26;
	v27 =	vor.u32 @!p1 s4, v26  }
0x78: {  	v28 =	vor.u32 @!p1 s4, v28  }
0x79: {  	v29 =	vor.u32 @!p1 $0x20, v26  }
0x7a: {  	v30 =	vor.u32 @!p1 $0x30, v26;
	v31 =	vor.u32 @!p1 $0x40, v26;
	v29 =	vor.u32 @!p1 s4, v29  }
0x7b: {  	v25 =	vld.idx.msk [tilespmem:v25+s18+$0x0], $0xffff;
	s1 =	simm.s32 @!p1 $0x3A00;
	v32 =	vor.u32 @!p1 $0x50, v26;
	v30 =	vor.u32 @!p1 s4, v30;
	v31 =	vor.u32 @!p1 s4, v31  }
0x7c: {  	[tilespmem:v27+s1+$0x0] =	vst.idx.add.f32.msk @!p1 $0xffff, v24;
	v27 =	vor.u32 @!p1 s4, v32;
	v32 =	vor.u32 @!p1 $0x60, v26;
	v26 =	vor.u32 @!p1 $0x70, v26  }
0x7d: {  	[tilespmem:v28+s1+$0x0] =	vst.idx.add.f32.msk @!p1 $0xffff, v23;
	v28 =	vor.u32 @!p1 s4, v32;
	v26 =	vor.u32 @!p1 s4, v26;
	s4 =	ssub.s32 @!p1 s25, s23  }
0x7e: {  	p2 =	slt.s32 @!p1 s4, $0x100  }
0x7f: {  	[tilespmem:v29+s1+$0x0] =	vst.idx.add.f32.msk @!p1 $0xffff, v22;
	p2 =	por p1, p2  }
.Ltmp7:
0x80: {  	[tilespmem:v30+s1+$0x0] =	vst.idx.add.f32.msk @!p1 $0xffff, v21;
	(pc) =	sbr.rel @p2 .LBB2_7-.Ltmp7, $4  }
0x81: {  	[tilespmem:v31+s1+$0x0] =	vst.idx.add.f32.msk @!p1 $0xffff, v20  }
0x82: {  	[tilespmem:v27+s1+$0x0] =	vst.idx.add.f32.msk @!p1 $0xffff, v19  }
0x83: {  	[tilespmem:v28+s1+$0x0] =	vst.idx.add.f32.msk @!p1 $0xffff, v18  }
0x84: {  	[tilespmem:v26+s1+$0x0] =	vst.idx.add.f32.msk @!p1 $0xffff, v17  }
0x85: {  	v26 =	vadd.s32 s23, v0  }
0x86: {  	v27 =	vadd.s32 s23, v2;
	vm0 =	vlt.s32 v26, $0x2710  }
0x87: {  	v28 =	vadd.s32 s23, v3;
	vm13 =	vlt.s32 v27, $0x2710;
	v26 =	vnsel vm0, $0x2710, v26  }
0x88: {  	vm14 =	vlt.s32 v28, $0x2710;
	[tilespmem:$0xBA00] =	vst v26;
	v26 =	vnsel vm13, $0x2710, v27;
	v27 =	vadd.s32 s23, v4  }
0x89: {  	[tilespmem:$0xBA10] =	vst v26;
	v26 =	vnsel vm14, $0x2710, v28;
	vm15 =	vlt.s32 v27, $0x2710;
	v28 =	vadd.s32 s23, v5  }
0x8a: {  	[tilespmem:$0xBA20] =	vst v26;
	v26 =	vnsel vm15, $0x2710, v27;
	vm4 =	vlt.s32 v28, $0x2710;
	v27 =	vadd.s32 s23, v6  }
0x8b: {  	[tilespmem:$0xBA30] =	vst v26;
	v26 =	vnsel vm4, $0x2710, v28;
	vm5 =	vlt.s32 v27, $0x2710;
	v28 =	vadd.s32 s23, v7  }
0x8c: {  	[tilespmem:$0xBA40] =	vst v26;
	v26 =	vnsel vm5, $0x2710, v27;
	vm6 =	vlt.s32 v28, $0x2710;
	v27 =	vadd.s32 s23, v8  }
0x8d: {  	[tilespmem:$0xBA50] =	vst v26;
	v26 =	vnsel vm6, $0x2710, v28;
	vm7 =	vlt.s32 v27, $0x2710  }
0x8e: {  	[tilespmem:$0xBA60] =	vst v26;
	v26 =	vnsel vm7, $0x2710, v27  }
0x8f: {  	[tilespmem:$0xBA70] =	vst v26  }
0x90: {  	[spmem:s5] =	stream.indirect.scatter.add.f32 [tilespmem:s15], [sflag:$0x1], $0x80, s20, s19, $0xb8;
	[tilespmem:$0x1F388] =	vst v63  }
0x91: {  	v26 =	vadd.s32 s23, v9;
	_ =	swait.ge [sflag:s17], $0x4000  }
0x92: {  	v27 =	vadd.s32 s23, v10;
	vm8 =	vlt.s32 v26, $0x2710;
	[sflag:s17] =	ssyncset.done $0x0  }
0x93: {  	v28 =	vadd.s32 s23, v11;
	vm9 =	vlt.s32 v27, $0x2710;
	v26 =	vnsel vm8, $0x2710, v26;
	[sflag:s17] =	ssyncadd.s32 $0xFFFFC000  }
0x94: {  	vm10 =	vlt.s32 v28, $0x2710;
	[tilespmem:$0xBA80] =	vst v26;
	v26 =	vnsel vm9, $0x2710, v27;
	v27 =	vadd.s32 s23, v12  }
0x95: {  	[tilespmem:$0xBA90] =	vst v26;
	v26 =	vnsel vm10, $0x2710, v28;
	vm11 =	vlt.s32 v27, $0x2710;
	v28 =	vadd.s32 s23, v13  }
0x96: {  	[tilespmem:$0xBAA0] =	vst v26;
	v26 =	vnsel vm11, $0x2710, v27;
	vm12 =	vlt.s32 v28, $0x2710;
	v27 =	vadd.s32 s23, v14  }
0x97: {  	[tilespmem:$0xBAB0] =	vst v26;
	v26 =	vnsel vm12, $0x2710, v28;
	vm13 =	vlt.s32 v27, $0x2710;
	v28 =	vadd.s32 s23, v15  }
0x98: {  	[tilespmem:$0xBAC0] =	vst v26;
	v26 =	vnsel vm13, $0x2710, v27;
	vm14 =	vlt.s32 v28, $0x2710;
	v27 =	vadd.s32 s23, v16  }
0x99: {  	[tilespmem:$0xBAD0] =	vst v26;
	v26 =	vnsel vm14, $0x2710, v28;
	vm15 =	vlt.s32 v27, $0x2710  }
0x9a: {  	s1 =	simm.s32 $0x0;
	[tilespmem:$0xBAE0] =	vst v26;
	v26 =	vnsel vm15, $0x2710, v27  }
0x9b: {  	v29 =	vor.u32 s1, v0;
	[tilespmem:$0xBAF0] =	vst v26  }
0x9c: {  	[spmem:s5] =	stream.indirect.scatter.add.f32 [tilespmem:s22], [sflag:$0x1], $0x80, s21, s19, $0xb8;
	[tilespmem:$0x1F388] =	vst v63  }
0x9d: {  	v31 =	vor.u32 s1, v2;
	_ =	swait.ge [sflag:s17], $0x4000  }
0x9e: {  	v28 =	vor.u32 s1, v3;
	[sflag:s17] =	ssyncset.done $0x0  }
0x9f: {  	v27 =	vor.u32 s1, v4;
	[sflag:s17] =	ssyncadd.s32 $0xFFFFC000  }
0xa0: {  	[tilespmem:v29+s15+$0x0] =	vst.idx.msk $0xffff, v1;
	v29 =	vor.u32 s1, v5  }
0xa1: {  	v30 =	vor.u32 s1, v6  }
0xa2: {  	s23 =	simm.s32 $0x1;
	v26 =	vor.u32 s1, v8;
	[tilespmem:v31+s15+$0x0] =	vst.idx.msk $0xffff, v1;
	v31 =	vor.u32 s1, v7  }
.LBB2_9:
0xa3: {  	s1 =	sshll.u32 s23, $0x7;
	p2 =	sne.s32 s23, $0xFF;
	s23 =	sadd.s32 $0x1, s23;
	[tilespmem:v28+s15+$0x0] =	vst.idx.msk $0xffff, v1  }
0xa4: {  	v32 =	vor.u32 s1, v0;
	v33 =	vor.u32 s1, v8;
	[tilespmem:v27+s15+$0x0] =	vst.idx.msk $0xffff, v1  }
0xa5: {  	v34 =	vor.u32 s1, v2;
	[tilespmem:v29+s15+$0x0] =	vst.idx.msk $0xffff, v1  }
.Ltmp8:
0xa6: {  	v28 =	vor.u32 s1, v3;
	[tilespmem:v30+s15+$0x0] =	vst.idx.msk $0xffff, v1;
	(pc) =	sbr.rel @p2 .LBB2_9-.Ltmp8, $4  }
0xa7: {  	v27 =	vor.u32 s1, v4;
	[tilespmem:v31+s15+$0x0] =	vst.idx.msk $0xffff, v1  }
0xa8: {  	v29 =	vor.u32 s1, v5;
	[tilespmem:v26+s15+$0x0] =	vst.idx.msk $0xffff, v1;
	v26 =	vmov v33  }
0xa9: {  	v30 =	vor.u32 s1, v6;
	[tilespmem:v32+s15+$0x0] =	vst.idx.msk $0xffff, v1  }
0xaa: {  	v31 =	vor.u32 s1, v7;
	[tilespmem:v34+s15+$0x0] =	vst.idx.msk $0xffff, v1  }
0xab: {  	_ =	sdelay $0x3  }
0xac: {  	[tilespmem:v28+s15+$0x0] =	vst.idx.msk $0xffff, v1  }
.Ltmp9:
0xad: {  	[tilespmem:v27+s15+$0x0] =	vst.idx.msk $0xffff, v1;
	(pc) =	sbr.rel .LBB2_11-.Ltmp9, $4  }
0xae: {  	[tilespmem:v29+s15+$0x0] =	vst.idx.msk $0xffff, v1  }
0xaf: {  	[tilespmem:v30+s15+$0x0] =	vst.idx.msk $0xffff, v1  }
0xb0: {  	[tilespmem:v31+s15+$0x0] =	vst.idx.msk $0xffff, v1  }
0xb1: {  	s23 =	smov.u32 s25;
	[tilespmem:v26+s15+$0x0] =	vst.idx.msk $0xffff, v1  }
.LBB2_14:
0xb2: {  	s1 =	ssub.s32 s25, s23  }
0xb3: {  	s1 =	sshll.u32 s1, $0x7  }
0xb4: {  	v25 =	vor.u32 s1, v0  }
0xb5: {  	v26 =	vor.u32 s1, v2  }
0xb6: {  	v27 =	vor.u32 s1, v3  }
0xb7: {  	v28 =	vor.u32 s1, v4  }
0xb8: {  	v29 =	vor.u32 s1, v5  }
0xb9: {  	v63 =	vor.u32 s1, v6;
	[tilespmem:v25+s15+$0x0] =	vst.idx.add.f32.msk $0xffff, v24  }
0xba: {  	[tilespmem:v26+s15+$0x0] =	vst.idx.add.f32.msk $0xffff, v23;
	v23 =	vor.u32 s1, v7  }
0xbb: {  	[tilespmem:v27+s15+$0x0] =	vst.idx.add.f32.msk $0xffff, v22;
	v22 =	vor.u32 s1, v8  }
0xbc: {  	[tilespmem:v28+s15+$0x0] =	vst.idx.add.f32.msk $0xffff, v21  }
0xbd: {  	[tilespmem:v29+s15+$0x0] =	vst.idx.add.f32.msk $0xffff, v20  }
0xbe: {  	[tilespmem:v63+s15+$0x0] =	vst.idx.add.f32.msk $0xffff, v19;
	v19 =	vadd.s32 s23, v0  }
0xbf: {  	[tilespmem:v23+s15+$0x0] =	vst.idx.add.f32.msk $0xffff, v18;
	vm0 =	vlt.s32 v19, $0x2710;
	v18 =	vadd.s32 s23, v2  }
0xc0: {  	[tilespmem:v22+s15+$0x0] =	vst.idx.add.f32.msk $0xffff, v17;
	v17 =	vnsel vm0, $0x2710, v19;
	vm13 =	vlt.s32 v18, $0x2710;
	v19 =	vadd.s32 s23, v3  }
0xc1: {  	[tilespmem:$0xBA00] =	vst v17;
	v17 =	vnsel vm13, $0x2710, v18;
	vm14 =	vlt.s32 v19, $0x2710;
	v18 =	vadd.s32 s23, v4  }
0xc2: {  	[tilespmem:$0xBA10] =	vst v17;
	v17 =	vnsel vm14, $0x2710, v19;
	vm15 =	vlt.s32 v18, $0x2710;
	v19 =	vadd.s32 s23, v5  }
0xc3: {  	[tilespmem:$0xBA20] =	vst v17;
	v17 =	vnsel vm15, $0x2710, v18;
	vm4 =	vlt.s32 v19, $0x2710;
	v18 =	vadd.s32 s23, v6  }
0xc4: {  	[tilespmem:$0xBA30] =	vst v17;
	v17 =	vnsel vm4, $0x2710, v19;
	vm5 =	vlt.s32 v18, $0x2710;
	v19 =	vadd.s32 s23, v7  }
0xc5: {  	[tilespmem:$0xBA40] =	vst v17;
	v17 =	vnsel vm5, $0x2710, v18;
	vm6 =	vlt.s32 v19, $0x2710;
	v18 =	vadd.s32 s23, v8  }
0xc6: {  	[tilespmem:$0xBA50] =	vst v17;
	v17 =	vnsel vm6, $0x2710, v19;
	vm7 =	vlt.s32 v18, $0x2710  }
0xc7: {  	[tilespmem:$0xBA60] =	vst v17;
	v17 =	vnsel vm7, $0x2710, v18  }
0xc8: {  	[tilespmem:$0xBA70] =	vst v17  }
0xc9: {  	[spmem:s5] =	stream.indirect.scatter.add.f32 [tilespmem:s15], [sflag:$0x1], $0x80, s20, s19, $0xb8;
	[tilespmem:$0x1F388] =	vst v63  }
0xca: {  	v17 =	vadd.s32 s23, v9;
	_ =	swait.ge [sflag:s17], $0x4000  }
0xcb: {  	v18 =	vadd.s32 s23, v10;
	vm8 =	vlt.s32 v17, $0x2710;
	[sflag:s17] =	ssyncset.done $0x0  }
0xcc: {  	v19 =	vadd.s32 s23, v11;
	vm9 =	vlt.s32 v18, $0x2710;
	v17 =	vnsel vm8, $0x2710, v17;
	[sflag:s17] =	ssyncadd.s32 $0xFFFFC000  }
0xcd: {  	vm10 =	vlt.s32 v19, $0x2710;
	[tilespmem:$0xBA80] =	vst v17;
	v17 =	vnsel vm9, $0x2710, v18;
	v18 =	vadd.s32 s23, v12  }
0xce: {  	[tilespmem:$0xBA90] =	vst v17;
	v17 =	vnsel vm10, $0x2710, v19;
	vm11 =	vlt.s32 v18, $0x2710;
	v19 =	vadd.s32 s23, v13  }
0xcf: {  	[tilespmem:$0xBAA0] =	vst v17;
	v17 =	vnsel vm11, $0x2710, v18;
	vm12 =	vlt.s32 v19, $0x2710;
	v18 =	vadd.s32 s23, v14  }
0xd0: {  	[tilespmem:$0xBAB0] =	vst v17;
	v17 =	vnsel vm12, $0x2710, v19;
	vm13 =	vlt.s32 v18, $0x2710;
	v19 =	vadd.s32 s23, v15  }
0xd1: {  	[tilespmem:$0xBAC0] =	vst v17;
	v17 =	vnsel vm13, $0x2710, v18;
	vm14 =	vlt.s32 v19, $0x2710;
	v18 =	vadd.s32 s23, v16  }
0xd2: {  	[tilespmem:$0xBAD0] =	vst v17;
	v17 =	vnsel vm14, $0x2710, v19;
	vm15 =	vlt.s32 v18, $0x2710  }
0xd3: {  	s31 =	simm.s32 $0x0;
	[tilespmem:$0xBAE0] =	vst v17;
	v17 =	vnsel vm15, $0x2710, v18  }
0xd4: {  	v20 =	vor.u32 s31, v0;
	[tilespmem:$0xBAF0] =	vst v17  }
0xd5: {  	[spmem:s5] =	stream.indirect.scatter.add.f32 [tilespmem:s22], [sflag:$0x1], $0x80, s21, s19, $0xb8;
	[tilespmem:$0x1F388] =	vst v63  }
0xd6: {  	v22 =	vor.u32 s31, v2;
	_ =	swait.ge [sflag:s17], $0x4000  }
0xd7: {  	v19 =	vor.u32 s31, v3;
	[sflag:s17] =	ssyncset.done $0x0  }
0xd8: {  	v18 =	vor.u32 s31, v4;
	[sflag:s17] =	ssyncadd.s32 $0xFFFFC000  }
0xd9: {  	[tilespmem:v20+s15+$0x0] =	vst.idx.msk $0xffff, v1;
	v20 =	vor.u32 s31, v5  }
0xda: {  	v21 =	vor.u32 s31, v6  }
0xdb: {  	s23 =	simm.s32 $0x1;
	v17 =	vor.u32 s31, v8;
	[tilespmem:v22+s15+$0x0] =	vst.idx.msk $0xffff, v1;
	v22 =	vor.u32 s31, v7  }
.LBB2_15:
0xdc: {  	s1 =	sshll.u32 s23, $0x7;
	p1 =	sne.s32 s23, $0xFF;
	s23 =	sadd.s32 $0x1, s23;
	[tilespmem:v19+s15+$0x0] =	vst.idx.msk $0xffff, v1  }
0xdd: {  	v23 =	vor.u32 s1, v0;
	v24 =	vor.u32 s1, v8;
	[tilespmem:v18+s15+$0x0] =	vst.idx.msk $0xffff, v1  }
0xde: {  	v25 =	vor.u32 s1, v2;
	[tilespmem:v20+s15+$0x0] =	vst.idx.msk $0xffff, v1  }
.Ltmp10:
0xdf: {  	v19 =	vor.u32 s1, v3;
	[tilespmem:v21+s15+$0x0] =	vst.idx.msk $0xffff, v1;
	(pc) =	sbr.rel @p1 .LBB2_15-.Ltmp10, $4  }
0xe0: {  	v18 =	vor.u32 s1, v4;
	[tilespmem:v22+s15+$0x0] =	vst.idx.msk $0xffff, v1  }
0xe1: {  	v20 =	vor.u32 s1, v5;
	[tilespmem:v17+s15+$0x0] =	vst.idx.msk $0xffff, v1;
	v17 =	vmov v24  }
0xe2: {  	v21 =	vor.u32 s1, v6;
	[tilespmem:v23+s15+$0x0] =	vst.idx.msk $0xffff, v1  }
0xe3: {  	v22 =	vor.u32 s1, v7;
	[tilespmem:v25+s15+$0x0] =	vst.idx.msk $0xffff, v1  }
0xe4: {  	_ =	sdelay $0x3  }
0xe5: {  	[tilespmem:v19+s15+$0x0] =	vst.idx.msk $0xffff, v1  }
0xe6: {  	[tilespmem:v18+s15+$0x0] =	vst.idx.msk $0xffff, v1  }
0xe7: {  	[tilespmem:v20+s15+$0x0] =	vst.idx.msk $0xffff, v1  }
0xe8: {  	[tilespmem:v21+s15+$0x0] =	vst.idx.msk $0xffff, v1  }
0xe9: {  	[tilespmem:v22+s15+$0x0] =	vst.idx.msk $0xffff, v1  }
0xea: {  	[tilespmem:v17+s15+$0x0] =	vst.idx.msk $0xffff, v1  }
0xeb: {  	s1 =	sshrl.u32 @p0 s10, $0x3;
	s4 =	simm.s32 @p0 $0x1FC1;
	[bflag:$0x0] =	sbarrier.arrive $0xFFFF  }
0xec: {  	[hbm:s13], [sflag:s4] =	dma.local @p0 [spmem:s1], $0x2080  }
0xed: {  	s1 =	simm.s32 @p0 $0x1  }
0xee: {  	s6 =	sadd.s32 $0x1, s6;
	s4 =	stileid.u32;
	_ =	swait.ge @p0 [sflag:s1], $0x2080  }
0xef: {  	p1 =	sne.s32 s6, s14;
	s4 =	sshll.u32 @!p0 s4, $0x6;
	[sflag:s1] =	ssyncset.done @p0 $0x0  }
0xf0: {  	[sflag:s1] =	ssyncadd.s32 @p0 $0xFFFFDF80;
	s1 =	sor.u32 @!p0 $0x1C01, s4;
	s4 =	sshrl.u32 @!p0 s8, $0x3  }
0xf1: {  	[hbm:s12], [sflag:s1] =	dma.local @!p0 [spmem:s4], $0x2780  }
.Ltmp11:
0xf2: {  	_ = 	snop;
	(pc) =	sbr.rel @p1 .LBB2_1-.Ltmp11, $4  }
0xf3: {  	s1 =	simm.s32 @!p0 $0x1  }
0xf4: {  	_ =	swait.ge @!p0 [sflag:s1], $0x2780  }
0xf5: {  	[sflag:s1] =	ssyncset.done @!p0 $0x0  }
0xf6: {  	[sflag:s1] =	ssyncadd.s32 @!p0 $0xFFFFD880  }
0xf7: {  	_ =	sfence.sel $0x180000  }
0xf8: {  	[bflag:$0x0] =	sbarrier.arrive $0xFFFF  }
0xf9: {  	_ =	strace $0x9000004D  }
0xfa: {  	s0 =	stileid.u32;
	[bflag:$0x2] =	sbarrier.arrive $0xFFFF  }
0xfb: {  	p0 =	sne.s32 s0, $0x0;
	s0 =	rddreg [dreg:$0x5]  }
0xfc: {  	s0 =	sadd.s32 @!p0 $0x100000, s0  }
0xfd: {  	[sflag:s0] =	ssyncadd.tile.s32 @!p0 $0x1;
	_ =	shalt  }
.Lfunc_end2:
_tile_overlayer_lowered:
.L_overlay_start_2:
0xfe: {  	(tag) =	ssettag $0x2  }
0xff: {  	s0 =	rddreg [dreg:$0x0];
	s2 =	stileid.u32  }
0x100: {  	s1 =	rddreg [dreg:$0x1];
	p0 =	sne.s32 s2, $0x0  }
0x101: {  	s3 =	rddreg [dreg:$0x2];
	[bflag:$0x3] =	sbarrier.arrive $0xFFFF;
	s2 =	simm.s32 @!p0 $0x1C01  }
0x102: {  	[timem:s3], [sflag:s2] =	dma.local @!p0 [hbm:s0], s1  }
0x103: {  	s0 =	simm.s32 @!p0 $0x1  }
0x104: {  	_ =	swait.ge @!p0 [sflag:s0], s1  }
0x105: {  	s1 =	ssub.s32 @!p0 $0x0, s1;
	[sflag:s0] =	ssyncset.done @!p0 $0x0  }
0x106: {  	[sflag:s0] =	ssyncadd.s32 @!p0 s1  }
0x107: {  	[bflag:$0x3] =	sbarrier.arrive $0xFFFF  }
0x108: {  	_ =	shalt  }

// kernel: kernel.7.cloned.1.call-start
scs
__scs_entry_jumppad:
0x0: {  	(pc) =	sbr.rel $0x88, $3  }
0x1: {  	(tag) =	ssettag $0x0;
	lr =	simm.s32 $0x1  }
0x2: {  	[smem:$0x3F9B] =	sst lr;
	_ =	strace $0xD0000000  }
0x3: {  	_ = 	snop  }
0x4: {  	_ = 	snop  }
0x5: {  	_ = 	snop  }
0x6: {  	_ = 	snop  }
0x7: {  	_ = 	snop  }
__scs_overlays_trampoline_lowered:
0x8: {  	[smem:$0x3FAA] =	sst s0  }
0x9: {  	[smem:$0x3FAB] =	sst s1  }
0xa: {  	[smem:$0x3FAC] =	sst s2  }
0xb: {  	[smem:$0x3FAD] =	sst s3  }
0xc: {  	[smem:$0x3FAE] =	sst s4  }
0xd: {  	[smem:$0x3FAF] =	sst s5  }
0xe: {  	[smem:$0x3FB0] =	sst s6  }
0xf: {  	[smem:$0x3FB1] =	sst s7  }
0x10: {  	[smem:$0x3FB2] =	sst s8  }
0x11: {  	[smem:$0x3FB3] =	sst s9;
	s0 =	simm.s32 @!p0 $0x0  }
0x12: {  	s1 =	sld [smem:$0x3F99];
	s0 =	simm.s32 @p0 $0x1  }
0x13: {  	[smem:$0x3FB4] =	sst s0;
	s0 =	simm.s32 @!p1 $0x0  }
0x14: {  	s2 =	sld [smem:$0x3F98];
	s0 =	simm.s32 @p1 $0x1  }
0x15: {  	[smem:$0x3FB5] =	sst s0;
	s0 =	simm.s32 @!p2 $0x0  }
0x16: {  	s3 =	sld [smem:$0x3FDB];
	s0 =	simm.s32 @p2 $0x1  }
0x17: {  	s4 =	simm.s32 $0x1BF5;
	[smem:$0x3FB7] =	sst s0  }
0x18: {  	s0 =	sld [smem:$0x3F9A];
	_ =	swait.ge [sflag:s4], $0x0  }
0x19: {  	s7 =	sld [smem:$0x3F9B]  }
0x1a: {  	s8 =	sadd.s32 $0xFFFFE003, lr  }
0x1b: {  	s9 =	sadd.s32 $0xFFFFFEF7, lr;
	s5 =	simm.s32 $0xFFFFFFFF;
	p2 =	slt.u32 s8, $0xFFFFF086  }
0x1c: {  	p1 =	slt.u32 s9, $0xF7A;
	s5 =	simm.s32 @!p2 $0x0  }
0x1d: {  	s5 =	simm.s32 @p1 $0x1;
	p0 =	seq.s32 s7, s2  }
0x1e: {  	s7 =	smul.u32 @!p0 $0xF7A, s2;
	p2 =	seq.s32 @!p0 s5, $0x0  }
0x1f: {  	s9 =	smul.u32 $0xF7A, s1;
	s8 =	simm.s32 @!p0 $0x1BF5;
	p2 =	por !p2, p0  }
0x20: {  	[sflag:s8] =	ssyncset.s32 @!p0 $0xFFFFF086;
	s6 =	sadd.s32 @!p0 s3, s7;
	s7 =	simm.s32 @!p0 $0x108  }
0x21: {  	s3 =	sadd.s32 s3, s9;
	s6 =	sadd.s32 @!p0 $0x88, s6;
	s7 =	simm.s32 @p2 $0x1082  }
0x22: {  	[simem:s7], [sflag:s8] =	dma.local @!p0 [hbm:s6], $0xF7A  }
0x23: {  	s9 =	sor.u32 $0xD0000000, s2;
	s6 =	simm.s32 $0x108;
	_ =	swait.ge @!p0 [sflag:s8], $0x0  }
0x24: {  	s3 =	sadd.s32 $0x88, s3;
	s6 =	simm.s32 @!p1 $0x1082;
	[sflag:s4] =	ssyncset.s32 $0xFFFFF086  }
0x25: {  	[simem:s6], [sflag:s4] =	dma.local [hbm:s3], $0xF7A  }
0x26: {  	[smem:$0x3F9B] =	sst s1;
	(tag) =	ssettag s2;
	_ =	strace s9  }
0x27: {  	s1 =	sld [smem:$0x3FAB]  }
0x28: {  	s2 =	sld [smem:$0x3FAC]  }
0x29: {  	s4 =	sld [smem:$0x3FAE]  }
0x2a: {  	p0 =	seq.s32 s5, $0x0;
	s5 =	sld [smem:$0x3FAF]  }
0x2b: {  	s6 =	sld [smem:$0x3FB0]  }
0x2c: {  	s7 =	sld [smem:$0x3FB1]  }
0x2d: {  	s3 =	simm.s32 $0x108;
	s8 =	sld [smem:$0x3FB2]  }
0x2e: {  	s3 =	simm.s32 @!p0 $0x1082;
	s9 =	sld [smem:$0x3FB3]  }
0x2f: {  	lr =	sadd.s32 s0, s3;
	s0 =	sld [smem:$0x3FAA]  }
0x30: {  	s3 =	sld [smem:$0x3FAD]  }
0x31: {  	[smem:$0x3FB6] =	sst s10  }
0x32: {  	s10 =	sld [smem:$0x3FB4];
	_ =	sdelay $0x3  }
0x33: {  	p0 =	seq.s32 s10, $0x1;
	s10 =	sld [smem:$0x3FB6];
	_ =	sdelay $0x3  }
0x34: {  	[smem:$0x3FB6] =	sst s10  }
0x35: {  	s10 =	sld [smem:$0x3FB5];
	_ =	sdelay $0x3  }
0x36: {  	p1 =	seq.s32 s10, $0x1;
	s10 =	sld [smem:$0x3FB6];
	_ =	sdelay $0x3  }
0x37: {  	[smem:$0x3FB6] =	sst s10  }
0x38: {  	s10 =	sld [smem:$0x3FB7]  }
0x39: {  	_ = 	snop;
	(pc) =	sbr.ind lr, $3  }
0x3a: {  	_ = 	snop  }
0x3b: {  	_ = 	snop  }
0x3c: {  	p2 =	seq.s32 s10, $0x1;
	s10 =	sld [smem:$0x3FB6]  }
0x3d: {  	_ =	shalt  }
0x3e: {  	_ =	shalt  }
0x3f: {  	_ =	shalt  }
0x40: {  	_ =	shalt  }
0x41: {  	_ =	shalt  }
0x42: {  	_ =	shalt  }
0x43: {  	_ =	shalt  }
0x44: {  	_ =	shalt  }
0x45: {  	_ =	shalt  }
0x46: {  	_ =	shalt  }
0x47: {  	_ =	shalt  }
0x48: {  	_ =	shalt  }
0x49: {  	_ =	shalt  }
0x4a: {  	_ =	shalt  }
0x4b: {  	_ =	shalt  }
0x4c: {  	_ =	shalt  }
0x4d: {  	_ =	shalt  }
0x4e: {  	_ =	shalt  }
0x4f: {  	_ =	shalt  }
0x50: {  	_ =	shalt  }
0x51: {  	_ =	shalt  }
0x52: {  	_ =	shalt  }
0x53: {  	_ =	shalt  }
0x54: {  	_ =	shalt  }
0x55: {  	_ =	shalt  }
0x56: {  	_ =	shalt  }
0x57: {  	_ =	shalt  }
0x58: {  	_ =	shalt  }
0x59: {  	_ =	shalt  }
0x5a: {  	_ =	shalt  }
0x5b: {  	_ =	shalt  }
0x5c: {  	_ =	shalt  }
0x5d: {  	_ =	shalt  }
0x5e: {  	_ =	shalt  }
0x5f: {  	_ =	shalt  }
0x60: {  	_ =	shalt  }
0x61: {  	_ =	shalt  }
0x62: {  	_ =	shalt  }
0x63: {  	_ =	shalt  }
0x64: {  	_ =	shalt  }
0x65: {  	_ =	shalt  }
0x66: {  	_ =	shalt  }
0x67: {  	_ =	shalt  }
0x68: {  	_ =	shalt  }
0x69: {  	_ =	shalt  }
0x6a: {  	_ =	shalt  }
0x6b: {  	_ =	shalt  }
0x6c: {  	_ =	shalt  }
0x6d: {  	_ =	shalt  }
0x6e: {  	_ =	shalt  }
0x6f: {  	_ =	shalt  }
0x70: {  	_ =	shalt  }
0x71: {  	_ =	shalt  }
0x72: {  	_ =	shalt  }
0x73: {  	_ =	shalt  }
0x74: {  	_ =	shalt  }
0x75: {  	_ =	shalt  }
0x76: {  	_ =	shalt  }
0x77: {  	_ =	shalt  }
0x78: {  	_ =	shalt  }
0x79: {  	_ =	shalt  }
0x7a: {  	_ =	shalt  }
0x7b: {  	_ =	shalt  }
0x7c: {  	_ =	shalt  }
0x7d: {  	_ =	shalt  }
0x7e: {  	_ =	shalt  }
0x7f: {  	_ =	shalt  }
0x80: {  	_ =	shalt  }
0x81: {  	_ =	shalt  }
0x82: {  	_ =	shalt  }
0x83: {  	_ =	shalt  }
0x84: {  	_ =	shalt  }
0x85: {  	_ =	shalt  }
0x86: {  	_ =	shalt  }
0x87: {  	_ =	shalt  }
.Lfunc_end0:
.L_simem_size_0:
called_computation_lowered:
.L_overlay_start_0:
0x88: {  	s2 =	sld [smem:$0x3FD9]  }
0x89: {  	s3 =	sld [smem:$0x3FFE];
	_ =	sdelay $0x1  }
0x8a: {  	s1 =	srdreg.scid  }
0x8b: {  	s0 =	sand.u32 $0x1, s1  }
0x8c: {  	s14 =	sshll.u32 s0, $0xA;
	s2 =	sadd.s32 s3, s2  }
0x8d: {  	s2 =	sadd.s32 s2, s14  }
0x8e: {  	[smem:$0x3FC2] =	sst s2  }
0x8f: {  	_ = 	snop  }
0x90: {  	s2 =	sld [smem:$0x3FD0];
	_ =	sdelay $0x2  }
0x91: {  	s4 =	simm.s32 $0xB;
	s5 =	simm.s32 $0x10;
	s15 =	sld [smem:$0x3FC7]  }
0x92: {  	[smem:s5], [sflag:s4] =	dma.local [hbm:s2], $0x1  }
0x93: {  	_ =	swait.eq [sflag:s4], $0x1  }
0x94: {  	[sflag:s4] =	ssyncset.done $0x0  }
0x95: {  	[sflag:s4] =	ssyncadd.s32 $0xFFFFFFFF  }
0x96: {  	s16 =	sld [smem:$0x10];
	(tm) =	ssettm $0x1  }
0x97: {  	s17 =	sld [smem:$0x3FFB];
	_ =	sdelay $0x3  }
0x98: {  	_ =	strace s17  }
0x99: {  	s4 =	sld [smem:$0x3FFC];
	_ =	sdelay $0x3  }
0x9a: {  	_ =	strace s4  }
0x9b: {  	s4 =	sld [smem:$0x3FFD];
	_ =	sdelay $0x3  }
0x9c: {  	_ =	strace s4  }
0x9d: {  	_ =	strace $0x8FFFFFFF  }
0x9e: {  	s18 =	sld [smem:$0x3FDB];
	_ =	sdelay $0x1  }
0x9f: {  	s19 =	simm.s32 $_scs_section_size  }
0xa0: {  	s6 =	simm.s32 $_size__tile_overlayer_lowered;
	s7 =	simm.s32 $_tile_overlayer_lowered  }
0xa1: {  	s22 =	simm.s32 $0x1BFF;
	s21 =	sshll.u32 s7, $0x1;
	s4 =	sadd.s32 s19, s18  }
0xa2: {  	s8 =	simm.s32 $0x0;
	s20 =	sshll.u32 s6, $0x1;
	s6 =	sadd.s32 s21, s4  }
0xa3: {  	[timem:s8], [sflag:s22] =	dma.local [hbm:s6], s20  }
0xa4: {  	_ =	swait.ge [sflag:s22], s20  }
0xa5: {  	s5 =	ssub.s32 $0x0, s20;
	[sflag:s22] =	ssyncset.done $0x0  }
0xa6: {  	[sflag:s22] =	ssyncadd.s32 s5;
	_ =	sdelay $0x1  }
0xa7: {  	s23 =	simm.s32 $0x1B8B  }
0xa8: {  	_ =	swait.ge [sflag:s23], $0x1  }
0xa9: {  	[sflag:s23] =	ssyncset.done $0x0  }
0xaa: {  	s25 =	simm.s32 $0x1B8E;
	s24 =	sld [smem:$0x3FFE];
	[sflag:s23] =	ssyncadd.s32 $0xFFFFFFFF  }
0xab: {  	s26 =	simm.s32 $execute0_lowered;
	[smem:$0x3FD2] =	sst s25  }
0xac: {  	s6 =	sshll.u32 s26, $0x1;
	_ =	strace $0x80000046;
	[dreg:$0x1] =	wrdreg $0xFFFFFFFF  }
0xad: {  	s28 =	simm.s32 $_size_execute0_lowered;
	s4 =	sadd.s32 s4, s6;
	[dreg:$0x0] =	wrdreg $0x0  }
0xae: {  	s6 =	sshll.u32 s28, $0x1;
	[dreg:$0x2] =	wrdreg s4  }
0xaf: {  	[dreg:$0x3] =	wrdreg s6  }
0xb0: {  	[dreg:$0x4] =	wrdreg $0xC0  }
0xb1: {  	_ =	task [dreg:s8], $0x5FFFF  }
0xb2: {  	[dreg:$0x1] =	wrdreg $0xFFFFFFFF  }
0xb3: {  	[dreg:$0x0] =	wrdreg $0x60  }
0xb4: {  	[dreg:$0x2] =	wrdreg s16  }
0xb5: {  	[dreg:$0x3] =	wrdreg s15  }
0xb6: {  	[dreg:$0x4] =	wrdreg s24  }
0xb7: {  	[dreg:$0x5] =	wrdreg $0x9  }
0xb8: {  	_ =	task.clear_ibuf [dreg:s8], $0x6FFFF;
	_ =	strace $0x90000046  }
0xb9: {  	s29 =	simm.s32 $0x9;
	_ =	strace $0x80000048  }
0xba: {  	_ =	swait.ge [sflag:s29], $0x1  }
0xbb: {  	[sflag:s29] =	ssyncadd.s32 $0xFFFFFFFF  }
0xbc: {  	_ =	strace $0x90000048  }
0xbd: {  	_ =	sfence  }
0xbe: {  	s30 =	sld [smem:$0x0];
	_ =	sdelay $0x2  }
0xbf: {  	s31 =	sshll.u32 s1, $0xD;
	s1 =	sshrl.u32 s1, $0x2  }
0xc0: {  	s3 =	sand.u32 $0x4000, s31;
	s1 =	sadd.s32 s1, s30  }
0xc1: {  	s0 =	sor.u32 s3, s0;
	s1 =	sshll.u32 s1, $0x11  }
0xc2: {  	s0 =	sor.u32 s1, s0  }
0xc3: {  	s0 =	sadd.s32 $0x8F2B, s0  }
0xc4: {  	[sflag:s0] =	ssyncadd.remote.s32 $0x1  }
0xc5: {  	_ =	sfence.sel $0xFFFF  }
0xc6: {  	[dreg:$0x0] =	wrdreg $0xFFFFFFFF;
	(pc) =	sbr.abs _section_cstart, $3  }
0xc7: {  	[dreg:$0x1] =	wrdreg $0xFFFFFFFF  }
0xc8: {  	_ =	task.clear_ibuf [dreg:s8], $0x2FFFF;
	_ =	strace $0x9FFFFFFF  }
0xc9: {  	(tm) =	ssettm $0x7FFFFFFF  }
tec
execute0_lowered:
.L_overlay_start_1:
0x0: {  	(tag) =	ssettag $0x1  }
0x1: {  	s3 =	rddreg [dreg:$0x0];
	s1 =	srdreg.scid  }
0x2: {  	s0 =	stileid.u32;
	s4 =	rddreg [dreg:$0x1]  }
0x3: {  	s6 =	rddreg [dreg:$0x2];
	s5 =	sand.u32 $0x1, s1;
	s31 =	sshll.u32 s0, $0x1  }
0x4: {  	s2 =	simm.s32 $0x0;
	s9 =	simm.s32 $0x4F00;
	s7 =	sor.u32 s5, s31  }
0x5: {  	s1 =	rddreg [dreg:$0x3];
	s5 =	ssub.s32 $0x2, s5;
	s7 =	smul.u32 $0x4E2, s7  }
0x6: {  	s10 =	simm.s32 $0x0;
	[smem:$0x7FF] =	sst s2;
	s8 =	sshrl.u32 s5, $0x1  }
0x7: {  	_ =	strace $0x80000047;
	s8 =	ssub.s32 s5, s8;
	s6 =	sadd.s32 s7, s6  }
0x8: {  	s3 =	sadd.s32 s3, s7;
	s4 =	sadd.s32 s4, s7;
	s7 =	simm.s32 $0x1  }
0x9: {  	v0 =	vimm.f32 $0.0e+00;
	s5 =	sadd.s32 $0xA00, s6;
	s6 =	smax.u32 s8, $0x1;
	s8 =	simm.s32 $0x2780  }
.LBB2_1:
0xa: {  	[tilespmem:s2], [sflag:$0x1] =	stream.linear.gather [hbm4b:s3+s2], $0x2710, $0x38;
	[tilespmem:$0x7680] =	vst v63  }
0xb: {  	_ =	swait.ge [sflag:s7], $0x2710  }
0xc: {  	[sflag:s7] =	ssyncset.done $0x0  }
0xd: {  	[sflag:s7] =	ssyncadd.s32 $0xFFFFD8F0  }
0xe: {  	[tilespmem:s8], [sflag:$0x1] =	stream.linear.gather [hbm4b:s4+s2], $0x2710, $0x38;
	[tilespmem:$0x7680] =	vst v63  }
0xf: {  	_ =	swait.ge [sflag:s7], $0x2710  }
0x10: {  	[sflag:s7] =	ssyncset.done $0x0  }
0x11: {  	s11 =	simm.s32 $0x0;
	[sflag:s7] =	ssyncadd.s32 $0xFFFFD8F0  }
.LBB2_2:
0x12: {  	p0 =	sne.s32 s11, $0x9C40  }
.Ltmp0:
0x13: {  	_ = 	snop;
	(pc) =	sbr.rel @p0 .LBB2_2-.Ltmp0, $3  }
0x14: {  	_ =	sdelay $0x1  }
0x15: {  	s12 =	sshra.s32 s11, $0x2  }
0x16: {  	s11 =	sadd.s32 $0x40, s11;
	[tilespmem:s12+$0x4F00] =	vst v0  }
0x17: {  	s12 =	simm.s32 $0x0;
	s11 =	simm.s32 $0x40  }
.LBB2_4:
0x18: {  	p0 =	sne.s32 s11, $0x9C00;
	v1 =	vld [tilespmem:s12+$0x2780];
	_ =	sdelay $0x2  }
0x19: {  	v2 =	vld [tilespmem:s12+$0x0]  }
.Ltmp1:
0x1a: {  	(pc) =	sbr.rel @p0 .LBB2_4-.Ltmp1, $2  }
0x1b: {  	_ =	sdelay $0x2  }
0x1c: {  	s12 =	sshra.s32 s11, $0x2;
	s11 =	sadd.s32 $0x40, s11;
	[tilespmem:v1+s9+$0x0] =	vst.idx.add.f32.msk $0xffff, v2  }
0x1d: {  	v1 =	vld [tilespmem:s12+$0x2780];
	_ =	sdelay $0x2  }
0x1e: {  	v2 =	vld [tilespmem:s12+$0x0];
	_ =	sdelay $0x2  }
0x1f: {  	s10 =	sadd.s32 $0x1, s10  }
0x20: {  	p0 =	sne.s32 s10, s6  }
.Ltmp2:
0x21: {  	[tilespmem:v1+s9+$0x0] =	vst.idx.add.f32.msk $0xffff, v2;
	(pc) =	sbr.rel @p0 .LBB2_1-.Ltmp2, $4  }
0x22: {  	[hbm4b:s5+s2] =	stream.linear.scatter [tilespmem:s9], [sflag:$0x1], $0x2710, $0x38;
	[tilespmem:$0x7680] =	vst v63  }
0x23: {  	_ =	swait.ge [sflag:s7], $0x2710  }
0x24: {  	[sflag:s7] =	ssyncset.done $0x0  }
0x25: {  	[sflag:s7] =	ssyncadd.s32 $0xFFFFD8F0  }
0x26: {  	_ =	sfence.sel $0x180000  }
0x27: {  	[bflag:$0x0] =	sbarrier.arrive $0xFFFF  }
0x28: {  	p0 =	sne.s32 s0, $0x0;
	_ =	strace $0x90000047  }
0x29: {  	s0 =	sadd.s32 @!p0 $0x100000, s1;
	[bflag:$0x2] =	sbarrier.arrive $0xFFFF  }
0x2a: {  	[sflag:s0] =	ssyncadd.tile.s32 @!p0 $0x1;
	_ =	shalt  }
.Lfunc_end2:
_tile_overlayer_lowered:
.L_overlay_start_2:
0x2b: {  	(tag) =	ssettag $0x2  }
0x2c: {  	s0 =	rddreg [dreg:$0x0];
	s2 =	stileid.u32  }
0x2d: {  	s1 =	rddreg [dreg:$0x1];
	p0 =	sne.s32 s2, $0x0  }
0x2e: {  	s3 =	rddreg [dreg:$0x2];
	[bflag:$0x3] =	sbarrier.arrive $0xFFFF;
	s2 =	simm.s32 @!p0 $0x1C01  }
0x2f: {  	[timem:s3], [sflag:s2] =	dma.local @!p0 [hbm:s0], s1  }
0x30: {  	s0 =	simm.s32 @!p0 $0x1  }
0x31: {  	_ =	swait.ge @!p0 [sflag:s0], s1  }
0x32: {  	s1 =	ssub.s32 @!p0 $0x0, s1;
	[sflag:s0] =	ssyncset.done @!p0 $0x0  }
0x33: {  	[sflag:s0] =	ssyncadd.s32 @!p0 s1  }
0x34: {  	[bflag:$0x3] =	sbarrier.arrive $0xFFFF  }
0x35: {  	_ =	shalt  }

</sc_bundles>
